<compile_context>
chip_gen: v7x
topology: tpu7x:2x2x1
jax: 0.10.2.dev20260603
libtpu: 0.0.44.dev20260713+nightly
codegen_flags: <defaults>
</compile_context>

<pallas_src>
import functools

import jax
import jax.numpy as jnp
import numpy as np
from jax import lax
from jax.experimental import pallas as pl
from jax.experimental.pallas import tpu as pltpu
from jax.experimental.pallas import tpu_sc as plsc

MAXLEN = 200
NBUCKETS = 128
NC, NS, L = 2, 16, 16
NW = NC * NS
SZ = MAXLEN * MAXLEN
TILE = (MAXLEN + 1) * MAXLEN
TSROW = 208
NCHUNKS = 13

_PBASE = 0x3F80
_NPREF = 4096
_bounds = np.exp(0.301 * np.arange(1, NBUCKETS + 1, dtype=np.float64))
_lo_bits = ((np.arange(_NPREF, dtype=np.int64) + _PBASE) << 16).astype(np.uint32)
_lo = _lo_bits.view(np.float32).astype(np.float64)
_hi = (_lo_bits + 0x10000).view(np.float32).astype(np.float64)
_b_lo = np.searchsorted(_bounds, _lo, side="right")
_nb = np.where(_b_lo < NBUCKETS, _bounds[np.minimum(_b_lo, NBUCKETS - 1)], np.inf)
assert np.all(
    np.searchsorted(_bounds, np.nextafter(_hi, 0), side="right") - _b_lo <= 1
)
_T_CUT = np.where(_nb < _hi, _nb, np.inf).astype(np.float32)
_T_B = _b_lo.astype(np.int32)


def _body(ts_hbm, tw_hbm, pw_hbm, tcut_hbm, tb_hbm, out_hbm,
          ts_v, tw_v, pw_v, tcut_v, tb_v, wlo_v, whi_v, dt_v, out_v,
          sem_out, n_per_w):
    wid = lax.axis_index("s") * NC + lax.axis_index("c")

    pltpu.sync_copy(tw_hbm, tw_v)
    pltpu.sync_copy(pw_hbm, pw_v)
    pltpu.sync_copy(tcut_hbm, tcut_v)
    pltpu.sync_copy(tb_hbm, tb_v)

    iota = jnp.arange(L, dtype=jnp.int32)
    lane200 = iota * MAXLEN

    def build(t, carry):
        blo = tb_v[pl.ds(t * L, L)]
        wlo_v[pl.ds(t * L, L)] = plsc.load_gather(tw_v, [blo])
        whi_v[pl.ds(t * L, L)] = plsc.load_gather(tw_v, [blo + 1])
        return carry

    lax.fori_loop(0, _NPREF // L, build, 0)

    def buildd(t, carry):
        m = iota + t * L
        dt_v[pl.ds(t * L, L)] = pw_v[pl.ds(t * L, L)] - plsc.load_gather(
            pw_v, [400 - m])
        return carry

    lax.fori_loop(0, 224 // L, buildd, 0)

    pbase = jnp.full((L,), _PBASE, jnp.int32)

    def direct_vals(ts_i, pos_base, c):
        ts_j = ts_v[pl.ds(c * L, L)]
        d = ts_i - ts_j
        a = jnp.abs(d).astype(jnp.float32)
        a = jnp.maximum(a, 1.0)
        bits = plsc.bitcast(a, jnp.int32)
        idx = lax.shift_right_logical(bits, 16) - pbase
        cut = plsc.load_gather(tcut_v, [idx])
        wlo = plsc.load_gather(wlo_v, [idx])
        whi = plsc.load_gather(whi_v, [idx])
        tw = jnp.where(a >= cut, whi, wlo)
        pos = pw_v[pl.ds(pos_base + c * L, L)]
        return tw + pos

    def direct_chunk(ts_i, row_off, pos_base, c):
        out_v[pl.ds(row_off + c * L, L)] = direct_vals(ts_i, pos_base, c)

    def one_batch(k, carry):
        b = wid * n_per_w + k
        p = lax.rem(k, 2)
        ooff = p * (TILE + 8)

        pltpu.sync_copy(ts_hbm.at[b], ts_v)

        @pl.when(k >= 2)
        def _():
            pltpu.make_async_copy(
                out_v.at[pl.ds(0, SZ)], out_hbm.at[pl.ds(0, SZ)], sem_out).wait()

        def one_row(i, carry2):
            row_off = ooff + (i + 1) * MAXLEN
            pos_base = (MAXLEN - 1) - i
            nm = jnp.where(i <= MAXLEN - 2, jnp.maximum(i, 0) // L, 0)

            ts_i = plsc.load_gather(ts_v, [jnp.full((L,), i + 1, jnp.int32)])
            tile_ref = out_v.at[pl.ds(ooff, TILE + 8)]

            def mirror_one(c):
                src = lane200 + (i + 1 + c * (L * MAXLEN))
                v = plsc.load_gather(tile_ref, [src])
                dvec = dt_v[pl.ds(pos_base + c * L, L)]
                out_v[pl.ds(row_off + c * L, L)] = v + dvec

            def mirror_chunk(t, carry3):
                mirror_one(2 * t)
                mirror_one(jnp.minimum(2 * t + 1, nm - 1))
                return carry3

            lax.fori_loop(0, (nm + 1) // 2, mirror_chunk, 0)

            c = nm
            r = i - c * L
            dv = direct_vals(ts_i, pos_base, c)
            src = jnp.minimum(lane200, jnp.maximum(r, 0) * MAXLEN) + (
                i + 1 + c * (L * MAXLEN))
            mirr = plsc.load_gather(tile_ref, [src]) + dt_v[
                pl.ds(pos_base + c * L, L)]
            r2 = jnp.where(i <= MAXLEN - 2, r, 0)
            out_v[pl.ds(row_off + c * L, L)] = jnp.where(iota < r2, mirr, dv)

            def dchunk(t, carry3):
                ca = nm + 1 + 2 * t
                direct_chunk(ts_i, row_off, pos_base, ca)
                direct_chunk(ts_i, row_off, pos_base,
                             jnp.minimum(ca + 1, NCHUNKS - 1))
                return carry3

            lax.fori_loop(0, (NCHUNKS - nm) // 2, dchunk, 0)
            return carry2

        lax.fori_loop(-1, MAXLEN, one_row, 0)
        pltpu.async_copy(out_v.at[pl.ds(ooff + MAXLEN, SZ)],
                         out_hbm.at[pl.ds(b * SZ, SZ)], sem_out)
        return carry

    lax.fori_loop(0, n_per_w, one_batch, 0)

    pltpu.make_async_copy(
        out_v.at[pl.ds(0, SZ)], out_hbm.at[pl.ds(0, SZ)], sem_out).wait()
    pltpu.make_async_copy(
        out_v.at[pl.ds(0, SZ)], out_hbm.at[pl.ds(0, SZ)], sem_out).wait()


def kernel(x, unix_ts, time_weights, pos_weights):
    B = unix_ts.shape[0]
    assert B % NW == 0
    n_per_w = B // NW

    ts_pad = jnp.pad(unix_ts, ((0, 0), (0, TSROW - MAXLEN - 1)))
    tw_pad = jnp.pad(time_weights, (0, 7))
    pw_pad = jnp.pad(pos_weights, (0, 7))
    tcut = jnp.asarray(_T_CUT)
    tb = jnp.asarray(_T_B)

    mesh = plsc.VectorSubcoreMesh(
        core_axis_name="c", subcore_axis_name="s", num_cores=NC, num_subcores=NS
    )
    run = pl.kernel(
        functools.partial(_body, n_per_w=n_per_w),
        out_type=jax.ShapeDtypeStruct((B * SZ,), jnp.float32),
        mesh=mesh,
        compiler_params=pltpu.CompilerParams(needs_layout_passes=False),
        scratch_types=[
            pltpu.VMEM((TSROW,), jnp.int32),
            pltpu.VMEM((136,), jnp.float32),
            pltpu.VMEM((408,), jnp.float32),
            pltpu.VMEM((_NPREF,), jnp.float32),
            pltpu.VMEM((_NPREF,), jnp.int32),
            pltpu.VMEM((_NPREF,), jnp.float32),
            pltpu.VMEM((_NPREF,), jnp.float32),
            pltpu.VMEM((224,), jnp.float32),
            pltpu.VMEM((2 * (TILE + 8),), jnp.float32),
            pltpu.SemaphoreType.DMA,
        ],
    )
    out_flat = run(ts_pad, tw_pad, pw_pad, tcut, tb)
    return out_flat.reshape(B, MAXLEN, MAXLEN)

# --- scband reference (transcript-rebuilt; emitter-appended) ---
"""Pipeline reference for scband-relative-attention-90787018702947 (READ-ONLY COPY).

The authoritative reference and input builder live on the scoring server;
editing this copy changes nothing except your own understanding.
"""

import jax, jax.numpy as jnp
import numpy as np

MAX_SEQ_LEN = 200
NUM_BUCKETS = 128


def setup_inputs(seed: int = 0) -> dict:
    key = jax.random.key(seed)
    k1, k2, k3, k4 = jax.random.split(key, 4)
    B = 1024
    x = jax.random.normal(k1, (B, MAX_SEQ_LEN), dtype=jnp.float32)
    unix_ts = jnp.sort(
        jax.random.randint(k2, (B, MAX_SEQ_LEN + 1), 0, 1700000000, dtype=jnp.int32),
        axis=-1,
    )
    time_weights = jax.random.normal(k3, (NUM_BUCKETS + 1,), dtype=jnp.float32) * 0.02
    pos_weights = jax.random.normal(k4, (2 * (MAX_SEQ_LEN + 1) - 1,), dtype=jnp.float32) * 0.02
    return {"x": x, "unix_ts": unix_ts, "time_weights": time_weights, "pos_weights": pos_weights}


def _quantize(diff):
    # lambda x: (log(abs(x).clamp(min=1)) / 0.301).long()
    a = jnp.maximum(jnp.abs(diff).astype(jnp.float32), 1.0)
    return (jnp.log(a) / 0.301).astype(jnp.int32)


def _time_attention(unix_ts, time_weights):
    N = MAX_SEQ_LEN + 1
    B = unix_ts.shape[0]
    ext = jnp.concatenate([unix_ts, unix_ts[:, N - 1:N]], axis=1)  # [B, N+1]
    early = ext[:, 1:, None].astype(jnp.int64 if False else jnp.int32) - ext[:, None, :-1]  # [B, N, N]
    buckets = jnp.clip(_quantize(early), 0, NUM_BUCKETS)
    rel_time = jnp.take(time_weights, buckets.reshape(-1), axis=0).reshape(B, N, N)
    return rel_time[:, :-1, :-1]


def _pos_attention(pos_weights):
    N = MAX_SEQ_LEN
    t = jnp.pad(pos_weights[: 2 * N - 1], (0, N))  # len 3N-1
    t = jnp.tile(t, N)  # len N*(3N-1)
    t = t[:-N].reshape(1, N, 3 * N - 2)
    r = (2 * N - 1) // 2
    return t[:, :, r:-r]  # [1, N, N]


def reference(x, unix_ts, time_weights, pos_weights):
    B = x.shape[0]
    rel = jnp.zeros((B, MAX_SEQ_LEN, MAX_SEQ_LEN), dtype=jnp.float32)
    rel = rel + _time_attention(unix_ts, time_weights)
    rel = rel + _pos_attention(pos_weights)
    return rel

if __name__ == "__main__":
    import jax
    _d = setup_inputs()
    print(jax.jit(kernel)(*tuple(_d.values())))

</pallas_src>

<mosaic_0001>
#map = affine_map<(d0, d1) -> (0, 0)>
#map1 = affine_map<(d0, d1) -> (0)>
module attributes {stable_mosaic.version = 14 : i64} {
  func.func @_body(%arg0: i32, %arg1: i32, %arg2: memref<1024x208xi32, #tpu.memory_space<hbm>>, %arg3: memref<136xf32, #tpu.memory_space<hbm>>, %arg4: memref<408xf32, #tpu.memory_space<hbm>>, %arg5: memref<4096xf32, #tpu.memory_space<hbm>>, %arg6: memref<4096xi32, #tpu.memory_space<hbm>>, %arg7: memref<40960000xf32, #tpu.memory_space<hbm>>, %arg8: memref<208xi32, #tpu.memory_space<vmem>>, %arg9: memref<136xf32, #tpu.memory_space<vmem>>, %arg10: memref<408xf32, #tpu.memory_space<vmem>>, %arg11: memref<4096xf32, #tpu.memory_space<vmem>>, %arg12: memref<4096xi32, #tpu.memory_space<vmem>>, %arg13: memref<4096xf32, #tpu.memory_space<vmem>>, %arg14: memref<4096xf32, #tpu.memory_space<vmem>>, %arg15: memref<224xf32, #tpu.memory_space<vmem>>, %arg16: memref<80416xf32, #tpu.memory_space<vmem>>, %arg17: memref<!tpu.dma_semaphore, #tpu.memory_space<semaphore_mem>>) attributes {dimension_semantics = [#tpu.dimension_semantics<core_parallel>, #tpu.dimension_semantics<subcore_parallel>], iteration_bounds = array<i64: 2, 16>, scalar_prefetch = 0 : i64, scratch_operands = 10 : i64, tpu.core_type = #tpu.core_type<sc_vector_subcore>, window_params = [{transform_indices = #map}, {transform_indices = #map1}, {transform_indices = #map1}, {transform_indices = #map1}, {transform_indices = #map1}, {transform_indices = #map1}]} {
    %mul3A = arith.constant 2 : i32
    %mul3A_0 = arith.muli %arg1, %mul3A : i32
    %add3A = arith.addi %mul3A_0, %arg0 : i32
    "tpu.region"() ({
      %run_scoped3A = tpu.sem_alloc : memref<!tpu.dma_semaphore, #tpu.memory_space<semaphore_mem>>
      tpu.enqueue_dma source(%arg3 : memref<136xf32, #tpu.memory_space<hbm>>) target(%arg9 : memref<136xf32, #tpu.memory_space<vmem>>) target_semaphore(%run_scoped3A : memref<!tpu.dma_semaphore, #tpu.memory_space<semaphore_mem>>)
      tpu.wait_dma2 semaphore(%run_scoped3A : memref<!tpu.dma_semaphore, #tpu.memory_space<semaphore_mem>>) src(%arg3 : memref<136xf32, #tpu.memory_space<hbm>>) dst(%arg9 : memref<136xf32, #tpu.memory_space<vmem>>)
      tpu.yield
    }) : () -> ()
    "tpu.region"() ({
      %run_scoped3A = tpu.sem_alloc : memref<!tpu.dma_semaphore, #tpu.memory_space<semaphore_mem>>
      tpu.enqueue_dma source(%arg4 : memref<408xf32, #tpu.memory_space<hbm>>) target(%arg10 : memref<408xf32, #tpu.memory_space<vmem>>) target_semaphore(%run_scoped3A : memref<!tpu.dma_semaphore, #tpu.memory_space<semaphore_mem>>)
      tpu.wait_dma2 semaphore(%run_scoped3A : memref<!tpu.dma_semaphore, #tpu.memory_space<semaphore_mem>>) src(%arg4 : memref<408xf32, #tpu.memory_space<hbm>>) dst(%arg10 : memref<408xf32, #tpu.memory_space<vmem>>)
      tpu.yield
    }) : () -> ()
    "tpu.region"() ({
      %run_scoped3A = tpu.sem_alloc : memref<!tpu.dma_semaphore, #tpu.memory_space<semaphore_mem>>
      tpu.enqueue_dma source(%arg5 : memref<4096xf32, #tpu.memory_space<hbm>>) target(%arg11 : memref<4096xf32, #tpu.memory_space<vmem>>) target_semaphore(%run_scoped3A : memref<!tpu.dma_semaphore, #tpu.memory_space<semaphore_mem>>)
      tpu.wait_dma2 semaphore(%run_scoped3A : memref<!tpu.dma_semaphore, #tpu.memory_space<semaphore_mem>>) src(%arg5 : memref<4096xf32, #tpu.memory_space<hbm>>) dst(%arg11 : memref<4096xf32, #tpu.memory_space<vmem>>)
      tpu.yield
    }) : () -> ()
    "tpu.region"() ({
      %run_scoped3A = tpu.sem_alloc : memref<!tpu.dma_semaphore, #tpu.memory_space<semaphore_mem>>
      tpu.enqueue_dma source(%arg6 : memref<4096xi32, #tpu.memory_space<hbm>>) target(%arg12 : memref<4096xi32, #tpu.memory_space<vmem>>) target_semaphore(%run_scoped3A : memref<!tpu.dma_semaphore, #tpu.memory_space<semaphore_mem>>)
      tpu.wait_dma2 semaphore(%run_scoped3A : memref<!tpu.dma_semaphore, #tpu.memory_space<semaphore_mem>>) src(%arg6 : memref<4096xi32, #tpu.memory_space<hbm>>) dst(%arg12 : memref<4096xi32, #tpu.memory_space<vmem>>)
      tpu.yield
    }) : () -> ()
    %iota3A = tpu.iota {dimensions = array<i32: 0>} : vector<16xi32>
    %mul3A_1 = arith.constant 200 : i32
    %mul3A_2 = vector.broadcast %mul3A_1 : i32 to vector<16xi32>
    %mul3A_3 = arith.muli %iota3A, %mul3A_2 : vector<16xi32>
    %scan3A = arith.constant 0 : i32
    %scan3A_4 = arith.constant 0 : i32
    %scan3A_5 = arith.constant 256 : i32
    %scan3A_6 = arith.addi %scan3A_4, %scan3A_5 : i32
    %scan3A_7 = arith.constant 1 : i32
    scf.for %scan3A_37 = %scan3A_4 to %scan3A_6 step %scan3A_7  : i32 {
      %mul3A_38 = arith.constant 16 : i32
      %mul3A_39 = arith.muli %scan3A_37, %mul3A_38 : i32
      %get3A = arith.index_cast %mul3A_39 : i32 to index
      %get3A_40 = tpu.vector_load %arg12[%get3A] {strides = array<i32>} : memref<4096xi32, #tpu.memory_space<vmem>>, vector<16xi32>,
      %gather3A = tpu.vector_load_idx %arg9[%get3A_40] : memref<136xf32, #tpu.memory_space<vmem>>[vector<16xi32>], vector<16xf32>,
      %mul3A_41 = arith.constant 16 : i32
      %mul3A_42 = arith.muli %scan3A_37, %mul3A_41 : i32
      %swap3A = arith.index_cast %mul3A_42 : i32 to index
      %swap3A_43 = tpu.vector_load %arg13[%swap3A] {strides = array<i32>} : memref<4096xf32, #tpu.memory_space<vmem>>, vector<16xf32>,
      tpu.vector_store %arg13[%swap3A], %gather3A {strides = array<i32>} : memref<4096xf32, #tpu.memory_space<vmem>>, vector<16xf32>,
      %add3A_44 = arith.constant 1 : i32
      %add3A_45 = vector.broadcast %add3A_44 : i32 to vector<16xi32>
      %add3A_46 = arith.addi %get3A_40, %add3A_45 : vector<16xi32>
      %gather3A_47 = tpu.vector_load_idx %arg9[%add3A_46] : memref<136xf32, #tpu.memory_space<vmem>>[vector<16xi32>], vector<16xf32>,
      %mul3A_48 = arith.constant 16 : i32
      %mul3A_49 = arith.muli %scan3A_37, %mul3A_48 : i32
      %swap3A_50 = arith.index_cast %mul3A_49 : i32 to index
      %swap3A_51 = tpu.vector_load %arg14[%swap3A_50] {strides = array<i32>} : memref<4096xf32, #tpu.memory_space<vmem>>, vector<16xf32>,
      tpu.vector_store %arg14[%swap3A_50], %gather3A_47 {strides = array<i32>} : memref<4096xf32, #tpu.memory_space<vmem>>, vector<16xf32>,
    }
    %scan3A_8 = arith.constant 256 : i32
    %scan3A_9 = arith.constant 0 : i32
    %scan3A_10 = arith.constant 0 : i32
    %scan3A_11 = arith.constant 14 : i32
    %scan3A_12 = arith.addi %scan3A_10, %scan3A_11 : i32
    %scan3A_13 = arith.constant 1 : i32
    scf.for %scan3A_37 = %scan3A_10 to %scan3A_12 step %scan3A_13  : i32 {
      %mul3A_38 = arith.constant 16 : i32
      %mul3A_39 = arith.muli %scan3A_37, %mul3A_38 : i32
      %add3A_40 = vector.broadcast %mul3A_39 : i32 to vector<16xi32>
      %add3A_41 = arith.addi %iota3A, %add3A_40 : vector<16xi32>
      %mul3A_42 = arith.constant 16 : i32
      %mul3A_43 = arith.muli %scan3A_37, %mul3A_42 : i32
      %get3A = arith.index_cast %mul3A_43 : i32 to index
      %get3A_44 = tpu.vector_load %arg10[%get3A] {strides = array<i32>} : memref<408xf32, #tpu.memory_space<vmem>>, vector<16xf32>,
      %sub3A = arith.constant 400 : i32
      %sub3A_45 = vector.broadcast %sub3A : i32 to vector<16xi32>
      %sub3A_46 = arith.subi %sub3A_45, %add3A_41 : vector<16xi32>
      %gather3A = tpu.vector_load_idx %arg10[%sub3A_46] : memref<408xf32, #tpu.memory_space<vmem>>[vector<16xi32>], vector<16xf32>,
      %sub3A_47 = arith.subf %get3A_44, %gather3A : vector<16xf32>
      %mul3A_48 = arith.constant 16 : i32
      %mul3A_49 = arith.muli %scan3A_37, %mul3A_48 : i32
      %swap3A = arith.index_cast %mul3A_49 : i32 to index
      %swap3A_50 = tpu.vector_load %arg15[%swap3A] {strides = array<i32>} : memref<224xf32, #tpu.memory_space<vmem>>, vector<16xf32>,
      tpu.vector_store %arg15[%swap3A], %sub3A_47 {strides = array<i32>} : memref<224xf32, #tpu.memory_space<vmem>>, vector<16xf32>,
    }
    %scan3A_14 = arith.constant 14 : i32
    %broadcast_in_dim3A = arith.constant 16256 : i32
    %broadcast_in_dim3A_15 = vector.broadcast %broadcast_in_dim3A : i32 to vector<16xi32>
    %scan3A_16 = arith.constant 0 : i32
    %scan3A_17 = arith.constant 0 : i32
    %scan3A_18 = arith.constant 32 : i32
    %scan3A_19 = arith.addi %scan3A_17, %scan3A_18 : i32
    %scan3A_20 = arith.constant 1 : i32
    scf.for %scan3A_37 = %scan3A_17 to %scan3A_19 step %scan3A_20  : i32 {
      %mul3A_38 = arith.constant 32 : i32
      %mul3A_39 = arith.muli %add3A, %mul3A_38 : i32
      %add3A_40 = arith.addi %mul3A_39, %scan3A_37 : i32
      %rem3A = arith.constant 2 : i32
      %rem3A_41 = arith.remsi %scan3A_37, %rem3A : i32
      %mul3A_42 = arith.constant 40208 : i32
      %mul3A_43 = arith.muli %rem3A_41, %mul3A_42 : i32
      "tpu.region"() ({
        %run_scoped3A = tpu.sem_alloc : memref<!tpu.dma_semaphore, #tpu.memory_space<semaphore_mem>>
        %dma_start3A_59 = arith.constant 0 : i32
        %dma_start3A_60 = tpu.memref_slice %arg2[%add3A_40, %dma_start3A_59] : memref<1024x208xi32, #tpu.memory_space<hbm>> -> memref<1x208xi32, #tpu.memory_space<hbm>>
        %dma_start3A_61 = tpu.memref_squeeze %dma_start3A_60 : memref<1x208xi32, #tpu.memory_space<hbm>> -> memref<208xi32, #tpu.memory_space<hbm>>
        %dma_start3A_62 = arith.constant 0 : i32
        %dma_start3A_63 = tpu.memref_slice %arg2[%add3A_40, %dma_start3A_62] : memref<1024x208xi32, #tpu.memory_space<hbm>> -> memref<1x208xi32, #tpu.memory_space<hbm>>
        %dma_start3A_64 = tpu.memref_squeeze %dma_start3A_63 : memref<1x208xi32, #tpu.memory_space<hbm>> -> memref<208xi32, #tpu.memory_space<hbm>>
        tpu.enqueue_dma source(%dma_start3A_64 : memref<208xi32, #tpu.memory_space<hbm>>) target(%arg8 : memref<208xi32, #tpu.memory_space<vmem>>) target_semaphore(%run_scoped3A : memref<!tpu.dma_semaphore, #tpu.memory_space<semaphore_mem>>)
        %dma_wait3A_65 = arith.constant 0 : i32
        %dma_wait3A_66 = tpu.memref_slice %arg2[%add3A_40, %dma_wait3A_65] : memref<1024x208xi32, #tpu.memory_space<hbm>> -> memref<1x208xi32, #tpu.memory_space<hbm>>
        %dma_wait3A_67 = tpu.memref_squeeze %dma_wait3A_66 : memref<1x208xi32, #tpu.memory_space<hbm>> -> memref<208xi32, #tpu.memory_space<hbm>>
        %dma_wait3A_68 = arith.constant 0 : i32
        %dma_wait3A_69 = tpu.memref_slice %arg2[%add3A_40, %dma_wait3A_68] : memref<1024x208xi32, #tpu.memory_space<hbm>> -> memref<1x208xi32, #tpu.memory_space<hbm>>
        %dma_wait3A_70 = tpu.memref_squeeze %dma_wait3A_69 : memref<1x208xi32, #tpu.memory_space<hbm>> -> memref<208xi32, #tpu.memory_space<hbm>>
        tpu.wait_dma2 semaphore(%run_scoped3A : memref<!tpu.dma_semaphore, #tpu.memory_space<semaphore_mem>>) src(%dma_wait3A_70 : memref<208xi32, #tpu.memory_space<hbm>>) dst(%arg8 : memref<208xi32, #tpu.memory_space<vmem>>)
        tpu.yield
      }) : () -> ()
      %ge3A = arith.constant 2 : i32
      %ge3A_44 = arith.cmpi sge, %scan3A_37, %ge3A : i32
      %convert_element_type3A = arith.extui %ge3A_44 : i1 to i32
      %cond3A = arith.constant 0 : i32
      %cond3A_45 = arith.cmpi ne, %convert_element_type3A, %cond3A : i32
      scf.if %cond3A_45 {
        %dma_wait3A_59 = arith.constant 0 : i32
        %dma_wait3A_60 = tpu.memref_slice %arg16[%dma_wait3A_59] : memref<80416xf32, #tpu.memory_space<vmem>> -> memref<40000xf32, #tpu.memory_space<vmem>>
        %dma_wait3A_61 = arith.constant 0 : i32
        %dma_wait3A_62 = tpu.memref_slice %arg7[%dma_wait3A_61] : memref<40960000xf32, #tpu.memory_space<hbm>> -> memref<40000xf32, #tpu.memory_space<hbm>>
        %dma_wait3A_63 = arith.constant 0 : i32
        %dma_wait3A_64 = tpu.memref_slice %arg7[%dma_wait3A_63] : memref<40960000xf32, #tpu.memory_space<hbm>> -> memref<40000xf32, #tpu.memory_space<hbm>>
        %dma_wait3A_65 = arith.constant 0 : i32
        %dma_wait3A_66 = tpu.memref_slice %arg16[%dma_wait3A_65] : memref<80416xf32, #tpu.memory_space<vmem>> -> memref<40000xf32, #tpu.memory_space<vmem>>
        tpu.wait_dma2 semaphore(%arg17 : memref<!tpu.dma_semaphore, #tpu.memory_space<semaphore_mem>>) src(%dma_wait3A_66 : memref<40000xf32, #tpu.memory_space<vmem>>) dst(%dma_wait3A_64 : memref<40000xf32, #tpu.memory_space<hbm>>)
      } else {
      }
      %scan3A_46 = arith.constant 0 : i32
      %scan3A_47 = arith.constant -1 : i32
      %scan3A_48 = arith.constant 201 : i32
      %scan3A_49 = arith.addi %scan3A_47, %scan3A_48 : i32
      %scan3A_50 = arith.constant 1 : i32
      scf.for %scan3A_59 = %scan3A_47 to %scan3A_49 step %scan3A_50  : i32 {
        %add3A_60 = arith.constant 1 : i32
        %add3A_61 = arith.addi %scan3A_59, %add3A_60 : i32
        %mul3A_62 = arith.constant 200 : i32
        %mul3A_63 = arith.muli %add3A_61, %mul3A_62 : i32
        %add3A_64 = arith.addi %mul3A_43, %mul3A_63 : i32
        %sub3A = arith.constant 199 : i32
        %sub3A_65 = arith.subi %sub3A, %scan3A_59 : i32
        %le3A = arith.constant 198 : i32
        %le3A_66 = arith.cmpi sle, %scan3A_59, %le3A : i32
        %max3A = arith.constant 0 : i32
        %max3A_67 = arith.maxsi %scan3A_59, %max3A : i32
        %jit3A = arith.constant 16 : i32
        %div3A = arith.divsi %max3A_67, %jit3A : i32
        %sign3A = arith.constant 0 : i32
        %sign3A_68 = arith.cmpi sgt, %max3A_67, %sign3A : i32
        %sign3A_69 = arith.extui %sign3A_68 : i1 to i32
        %sign3A_70 = arith.constant 0 : i32
        %sign3A_71 = arith.cmpi slt, %max3A_67, %sign3A_70 : i32
        %sign3A_72 = arith.extui %sign3A_71 : i1 to i32
        %sign3A_73 = arith.subi %sign3A_69, %sign3A_72 : i32
        %sign3A_74 = arith.constant 0 : i32
        %sign3A_75 = arith.cmpi sgt, %jit3A, %sign3A_74 : i32
        %sign3A_76 = arith.extui %sign3A_75 : i1 to i32
        %sign3A_77 = arith.constant 0 : i32
        %sign3A_78 = arith.cmpi slt, %jit3A, %sign3A_77 : i32
        %sign3A_79 = arith.extui %sign3A_78 : i1 to i32
        %sign3A_80 = arith.subi %sign3A_76, %sign3A_79 : i32
        %ne3A = arith.cmpi ne, %sign3A_73, %sign3A_80 : i32
        %rem3A_81 = arith.remsi %max3A_67, %jit3A : i32
        %ne3A_82 = arith.constant 0 : i32
        %ne3A_83 = arith.cmpi ne, %rem3A_81, %ne3A_82 : i32
        %and3A = arith.andi %ne3A, %ne3A_83 : i1
        %sub3A_84 = arith.constant 1 : i32
        %sub3A_85 = arith.subi %div3A, %sub3A_84 : i32
        %select_n3A = arith.select %and3A, %sub3A_85, %div3A : i32
        %jit3A_86 = arith.constant 0 : i32
        %select_n3A_87 = arith.select %le3A_66, %select_n3A, %jit3A_86 : i32
        %add3A_88 = arith.constant 1 : i32
        %add3A_89 = arith.addi %scan3A_59, %add3A_88 : i32
        %broadcast_in_dim3A_90 = vector.broadcast %add3A_89 : i32 to vector<16xi32>
        %gather3A = tpu.vector_load_idx %arg8[%broadcast_in_dim3A_90] : memref<208xi32, #tpu.memory_space<vmem>>[vector<16xi32>], vector<16xi32>,
        %add3A_91 = arith.constant 1 : i32
        %add3A_92 = arith.addi %select_n3A_87, %add3A_91 : i32
        %jit3A_93 = arith.constant 2 : i32
        %div3A_94 = arith.divsi %add3A_92, %jit3A_93 : i32
        %sign3A_95 = arith.constant 0 : i32
        %sign3A_96 = arith.cmpi sgt, %add3A_92, %sign3A_95 : i32
        %sign3A_97 = arith.extui %sign3A_96 : i1 to i32
        %sign3A_98 = arith.constant 0 : i32
        %sign3A_99 = arith.cmpi slt, %add3A_92, %sign3A_98 : i32
        %sign3A_100 = arith.extui %sign3A_99 : i1 to i32
        %sign3A_101 = arith.subi %sign3A_97, %sign3A_100 : i32
        %sign3A_102 = arith.constant 0 : i32
        %sign3A_103 = arith.cmpi sgt, %jit3A_93, %sign3A_102 : i32
        %sign3A_104 = arith.extui %sign3A_103 : i1 to i32
        %sign3A_105 = arith.constant 0 : i32
        %sign3A_106 = arith.cmpi slt, %jit3A_93, %sign3A_105 : i32
        %sign3A_107 = arith.extui %sign3A_106 : i1 to i32
        %sign3A_108 = arith.subi %sign3A_104, %sign3A_107 : i32
        %ne3A_109 = arith.cmpi ne, %sign3A_101, %sign3A_108 : i32
        %rem3A_110 = arith.remsi %add3A_92, %jit3A_93 : i32
        %ne3A_111 = arith.constant 0 : i32
        %ne3A_112 = arith.cmpi ne, %rem3A_110, %ne3A_111 : i32
        %and3A_113 = arith.andi %ne3A_109, %ne3A_112 : i1
        %sub3A_114 = arith.constant 1 : i32
        %sub3A_115 = arith.subi %div3A_94, %sub3A_114 : i32
        %select_n3A_116 = arith.select %and3A_113, %sub3A_115, %div3A_94 : i32
        %while3A = arith.constant 0 : i32
        %while3A_117 = arith.constant 0 : i32
        %while3A_118 = arith.subi %select_n3A_116, %while3A_117 : i32
        %while3A_119 = arith.addi %while3A_117, %while3A_118 : i32
        %while3A_120 = arith.constant 1 : i32
        %while3A_121 = arith.divsi %while3A_118, %while3A_120 : i32
        %while3A_122 = arith.muli %while3A_121, %while3A_120 : i32
        %while3A_123 = arith.addi %while3A_117, %while3A_122 : i32
        %while3A_124 = arith.constant 1 : i32
        scf.for %while3A_217 = %while3A_117 to %while3A_123 step %while3A_124  : i32 {
          %mul3A_218 = arith.constant 2 : i32
          %mul3A_219 = arith.muli %mul3A_218, %while3A_217 : i32
          %add3A_220 = arith.constant 1 : i32
          %add3A_221 = arith.addi %scan3A_59, %add3A_220 : i32
          %mul3A_222 = arith.constant 3200 : i32
          %mul3A_223 = arith.muli %mul3A_219, %mul3A_222 : i32
          %add3A_224 = arith.addi %add3A_221, %mul3A_223 : i32
          %add3A_225 = vector.broadcast %add3A_224 : i32 to vector<16xi32>
          %add3A_226 = arith.addi %mul3A_3, %add3A_225 : vector<16xi32>
          %gather3A_227 = tpu.memref_slice %arg16[%mul3A_43] : memref<80416xf32, #tpu.memory_space<vmem>> -> memref<40208xf32, #tpu.memory_space<vmem>>
          %gather3A_228 = tpu.vector_load_idx %gather3A_227[%add3A_226] : memref<40208xf32, #tpu.memory_space<vmem>>[vector<16xi32>], vector<16xf32>,
          %mul3A_229 = arith.constant 16 : i32
          %mul3A_230 = arith.muli %mul3A_219, %mul3A_229 : i32
          %add3A_231 = arith.addi %sub3A_65, %mul3A_230 : i32
          %get3A_232 = arith.index_cast %add3A_231 : i32 to index
          %get3A_233 = tpu.vector_load %arg15[%get3A_232] {strides = array<i32>} : memref<224xf32, #tpu.memory_space<vmem>>, vector<16xf32>,
          %add3A_234 = arith.addf %gather3A_228, %get3A_233 : vector<16xf32>
          %mul3A_235 = arith.constant 16 : i32
          %mul3A_236 = arith.muli %mul3A_219, %mul3A_235 : i32
          %add3A_237 = arith.addi %add3A_64, %mul3A_236 : i32
          %swap3A_238 = arith.index_cast %add3A_237 : i32 to index
          %swap3A_239 = tpu.vector_load %arg16[%swap3A_238] {strides = array<i32>} : memref<80416xf32, #tpu.memory_space<vmem>>, vector<16xf32>,
          tpu.vector_store %arg16[%swap3A_238], %add3A_234 {strides = array<i32>} : memref<80416xf32, #tpu.memory_space<vmem>>, vector<16xf32>,
          %mul3A_240 = arith.constant 2 : i32
          %mul3A_241 = arith.muli %mul3A_240, %while3A_217 : i32
          %add3A_242 = arith.constant 1 : i32
          %add3A_243 = arith.addi %mul3A_241, %add3A_242 : i32
          %sub3A_244 = arith.constant 1 : i32
          %sub3A_245 = arith.subi %select_n3A_87, %sub3A_244 : i32
          %min3A_246 = arith.minsi %add3A_243, %sub3A_245 : i32
          %add3A_247 = arith.constant 1 : i32
          %add3A_248 = arith.addi %scan3A_59, %add3A_247 : i32
          %mul3A_249 = arith.constant 3200 : i32
          %mul3A_250 = arith.muli %min3A_246, %mul3A_249 : i32
          %add3A_251 = arith.addi %add3A_248, %mul3A_250 : i32
          %add3A_252 = vector.broadcast %add3A_251 : i32 to vector<16xi32>
          %add3A_253 = arith.addi %mul3A_3, %add3A_252 : vector<16xi32>
          %gather3A_254 = tpu.memref_slice %arg16[%mul3A_43] : memref<80416xf32, #tpu.memory_space<vmem>> -> memref<40208xf32, #tpu.memory_space<vmem>>
          %gather3A_255 = tpu.vector_load_idx %gather3A_254[%add3A_253] : memref<40208xf32, #tpu.memory_space<vmem>>[vector<16xi32>], vector<16xf32>,
          %mul3A_256 = arith.constant 16 : i32
          %mul3A_257 = arith.muli %min3A_246, %mul3A_256 : i32
          %add3A_258 = arith.addi %sub3A_65, %mul3A_257 : i32
          %get3A_259 = arith.index_cast %add3A_258 : i32 to index
          %get3A_260 = tpu.vector_load %arg15[%get3A_259] {strides = array<i32>} : memref<224xf32, #tpu.memory_space<vmem>>, vector<16xf32>,
          %add3A_261 = arith.addf %gather3A_255, %get3A_260 : vector<16xf32>
          %mul3A_262 = arith.constant 16 : i32
          %mul3A_263 = arith.muli %min3A_246, %mul3A_262 : i32
          %add3A_264 = arith.addi %add3A_64, %mul3A_263 : i32
          %swap3A_265 = arith.index_cast %add3A_264 : i32 to index
          %swap3A_266 = tpu.vector_load %arg16[%swap3A_265] {strides = array<i32>} : memref<80416xf32, #tpu.memory_space<vmem>>, vector<16xf32>,
          tpu.vector_store %arg16[%swap3A_265], %add3A_261 {strides = array<i32>} : memref<80416xf32, #tpu.memory_space<vmem>>, vector<16xf32>,
        }
        %while3A_125 = arith.constant 1 : i32
        scf.for %while3A_217 = %while3A_123 to %while3A_119 step %while3A_125  : i32 {
          %mul3A_218 = arith.constant 2 : i32
          %mul3A_219 = arith.muli %mul3A_218, %while3A_217 : i32
          %add3A_220 = arith.constant 1 : i32
          %add3A_221 = arith.addi %scan3A_59, %add3A_220 : i32
          %mul3A_222 = arith.constant 3200 : i32
          %mul3A_223 = arith.muli %mul3A_219, %mul3A_222 : i32
          %add3A_224 = arith.addi %add3A_221, %mul3A_223 : i32
          %add3A_225 = vector.broadcast %add3A_224 : i32 to vector<16xi32>
          %add3A_226 = arith.addi %mul3A_3, %add3A_225 : vector<16xi32>
          %gather3A_227 = tpu.memref_slice %arg16[%mul3A_43] : memref<80416xf32, #tpu.memory_space<vmem>> -> memref<40208xf32, #tpu.memory_space<vmem>>
          %gather3A_228 = tpu.vector_load_idx %gather3A_227[%add3A_226] : memref<40208xf32, #tpu.memory_space<vmem>>[vector<16xi32>], vector<16xf32>,
          %mul3A_229 = arith.constant 16 : i32
          %mul3A_230 = arith.muli %mul3A_219, %mul3A_229 : i32
          %add3A_231 = arith.addi %sub3A_65, %mul3A_230 : i32
          %get3A_232 = arith.index_cast %add3A_231 : i32 to index
          %get3A_233 = tpu.vector_load %arg15[%get3A_232] {strides = array<i32>} : memref<224xf32, #tpu.memory_space<vmem>>, vector<16xf32>,
          %add3A_234 = arith.addf %gather3A_228, %get3A_233 : vector<16xf32>
          %mul3A_235 = arith.constant 16 : i32
          %mul3A_236 = arith.muli %mul3A_219, %mul3A_235 : i32
          %add3A_237 = arith.addi %add3A_64, %mul3A_236 : i32
          %swap3A_238 = arith.index_cast %add3A_237 : i32 to index
          %swap3A_239 = tpu.vector_load %arg16[%swap3A_238] {strides = array<i32>} : memref<80416xf32, #tpu.memory_space<vmem>>, vector<16xf32>,
          tpu.vector_store %arg16[%swap3A_238], %add3A_234 {strides = array<i32>} : memref<80416xf32, #tpu.memory_space<vmem>>, vector<16xf32>,
          %mul3A_240 = arith.constant 2 : i32
          %mul3A_241 = arith.muli %mul3A_240, %while3A_217 : i32
          %add3A_242 = arith.constant 1 : i32
          %add3A_243 = arith.addi %mul3A_241, %add3A_242 : i32
          %sub3A_244 = arith.constant 1 : i32
          %sub3A_245 = arith.subi %select_n3A_87, %sub3A_244 : i32
          %min3A_246 = arith.minsi %add3A_243, %sub3A_245 : i32
          %add3A_247 = arith.constant 1 : i32
          %add3A_248 = arith.addi %scan3A_59, %add3A_247 : i32
          %mul3A_249 = arith.constant 3200 : i32
          %mul3A_250 = arith.muli %min3A_246, %mul3A_249 : i32
          %add3A_251 = arith.addi %add3A_248, %mul3A_250 : i32
          %add3A_252 = vector.broadcast %add3A_251 : i32 to vector<16xi32>
          %add3A_253 = arith.addi %mul3A_3, %add3A_252 : vector<16xi32>
          %gather3A_254 = tpu.memref_slice %arg16[%mul3A_43] : memref<80416xf32, #tpu.memory_space<vmem>> -> memref<40208xf32, #tpu.memory_space<vmem>>
          %gather3A_255 = tpu.vector_load_idx %gather3A_254[%add3A_253] : memref<40208xf32, #tpu.memory_space<vmem>>[vector<16xi32>], vector<16xf32>,
          %mul3A_256 = arith.constant 16 : i32
          %mul3A_257 = arith.muli %min3A_246, %mul3A_256 : i32
          %add3A_258 = arith.addi %sub3A_65, %mul3A_257 : i32
          %get3A_259 = arith.index_cast %add3A_258 : i32 to index
          %get3A_260 = tpu.vector_load %arg15[%get3A_259] {strides = array<i32>} : memref<224xf32, #tpu.memory_space<vmem>>, vector<16xf32>,
          %add3A_261 = arith.addf %gather3A_255, %get3A_260 : vector<16xf32>
          %mul3A_262 = arith.constant 16 : i32
          %mul3A_263 = arith.muli %min3A_246, %mul3A_262 : i32
          %add3A_264 = arith.addi %add3A_64, %mul3A_263 : i32
          %swap3A_265 = arith.index_cast %add3A_264 : i32 to index
          %swap3A_266 = tpu.vector_load %arg16[%swap3A_265] {strides = array<i32>} : memref<80416xf32, #tpu.memory_space<vmem>>, vector<16xf32>,
          tpu.vector_store %arg16[%swap3A_265], %add3A_261 {strides = array<i32>} : memref<80416xf32, #tpu.memory_space<vmem>>, vector<16xf32>,
        }
        %mul3A_126 = arith.constant 16 : i32
        %mul3A_127 = arith.muli %select_n3A_87, %mul3A_126 : i32
        %sub3A_128 = arith.subi %scan3A_59, %mul3A_127 : i32
        %mul3A_129 = arith.constant 16 : i32
        %mul3A_130 = arith.muli %select_n3A_87, %mul3A_129 : i32
        %get3A = arith.index_cast %mul3A_130 : i32 to index
        %get3A_131 = tpu.vector_load %arg8[%get3A] {strides = array<i32>} : memref<208xi32, #tpu.memory_space<vmem>>, vector<16xi32>,
        %sub3A_132 = arith.subi %gather3A, %get3A_131 : vector<16xi32>
        %abs3A = math.absi %sub3A_132 : vector<16xi32>
        %convert_element_type3A_133 = arith.sitofp %abs3A : vector<16xi32> to vector<16xf32>
        %max3A_134 = arith.constant 1.000000e+00 : f32
        %max3A_135 = vector.broadcast %max3A_134 : f32 to vector<16xf32>
        %max3A_136 = arith.maximumf %convert_element_type3A_133, %max3A_135 : vector<16xf32>
        %bitcast3A = vector.bitcast %max3A_136 : vector<16xf32> to vector<16xi32>
        %shift_right_logical3A = arith.constant 16 : i32
        %shift_right_logical3A_137 = vector.broadcast %shift_right_logical3A : i32 to vector<16xi32>
        %shift_right_logical3A_138 = arith.shrui %bitcast3A, %shift_right_logical3A_137 : vector<16xi32>
        %sub3A_139 = arith.subi %shift_right_logical3A_138, %broadcast_in_dim3A_15 : vector<16xi32>
        %gather3A_140 = tpu.vector_load_idx %arg11[%sub3A_139] : memref<4096xf32, #tpu.memory_space<vmem>>[vector<16xi32>], vector<16xf32>,
        %gather3A_141 = tpu.vector_load_idx %arg13[%sub3A_139] : memref<4096xf32, #tpu.memory_space<vmem>>[vector<16xi32>], vector<16xf32>,
        %gather3A_142 = tpu.vector_load_idx %arg14[%sub3A_139] : memref<4096xf32, #tpu.memory_space<vmem>>[vector<16xi32>], vector<16xf32>,
        %ge3A_143 = arith.cmpf oge, %max3A_136, %gather3A_140 : vector<16xf32>
        %select_n3A_144 = arith.select %ge3A_143, %gather3A_142, %gather3A_141 : vector<16xi1>, vector<16xf32>
        %mul3A_145 = arith.constant 16 : i32
        %mul3A_146 = arith.muli %select_n3A_87, %mul3A_145 : i32
        %add3A_147 = arith.addi %sub3A_65, %mul3A_146 : i32
        %get3A_148 = arith.index_cast %add3A_147 : i32 to index
        %get3A_149 = tpu.vector_load %arg10[%get3A_148] {strides = array<i32>} : memref<408xf32, #tpu.memory_space<vmem>>, vector<16xf32>,
        %add3A_150 = arith.addf %select_n3A_144, %get3A_149 : vector<16xf32>
        %max3A_151 = arith.constant 0 : i32
        %max3A_152 = arith.maxsi %sub3A_128, %max3A_151 : i32
        %mul3A_153 = arith.constant 200 : i32
        %mul3A_154 = arith.muli %max3A_152, %mul3A_153 : i32
        %min3A = vector.broadcast %mul3A_154 : i32 to vector<16xi32>
        %min3A_155 = arith.minsi %mul3A_3, %min3A : vector<16xi32>
        %add3A_156 = arith.constant 1 : i32
        %add3A_157 = arith.addi %scan3A_59, %add3A_156 : i32
        %mul3A_158 = arith.constant 3200 : i32
        %mul3A_159 = arith.muli %select_n3A_87, %mul3A_158 : i32
        %add3A_160 = arith.addi %add3A_157, %mul3A_159 : i32
        %add3A_161 = vector.broadcast %add3A_160 : i32 to vector<16xi32>
        %add3A_162 = arith.addi %min3A_155, %add3A_161 : vector<16xi32>
        %gather3A_163 = tpu.memref_slice %arg16[%mul3A_43] : memref<80416xf32, #tpu.memory_space<vmem>> -> memref<40208xf32, #tpu.memory_space<vmem>>
        %gather3A_164 = tpu.vector_load_idx %gather3A_163[%add3A_162] : memref<40208xf32, #tpu.memory_space<vmem>>[vector<16xi32>], vector<16xf32>,
        %mul3A_165 = arith.constant 16 : i32
        %mul3A_166 = arith.muli %select_n3A_87, %mul3A_165 : i32
        %add3A_167 = arith.addi %sub3A_65, %mul3A_166 : i32
        %get3A_168 = arith.index_cast %add3A_167 : i32 to index
        %get3A_169 = tpu.vector_load %arg15[%get3A_168] {strides = array<i32>} : memref<224xf32, #tpu.memory_space<vmem>>, vector<16xf32>,
        %add3A_170 = arith.addf %gather3A_164, %get3A_169 : vector<16xf32>
        %le3A_171 = arith.constant 198 : i32
        %le3A_172 = arith.cmpi sle, %scan3A_59, %le3A_171 : i32
        %jit3A_173 = arith.constant 0 : i32
        %select_n3A_174 = arith.select %le3A_172, %sub3A_128, %jit3A_173 : i32
        %lt3A = vector.broadcast %select_n3A_174 : i32 to vector<16xi32>
        %lt3A_175 = arith.cmpi slt, %iota3A, %lt3A : vector<16xi32>
        %select_n3A_176 = arith.select %lt3A_175, %add3A_170, %add3A_150 : vector<16xi1>, vector<16xf32>
        %mul3A_177 = arith.constant 16 : i32
        %mul3A_178 = arith.muli %select_n3A_87, %mul3A_177 : i32
        %add3A_179 = arith.addi %add3A_64, %mul3A_178 : i32
        %swap3A = arith.index_cast %add3A_179 : i32 to index
        %swap3A_180 = tpu.vector_load %arg16[%swap3A] {strides = array<i32>} : memref<80416xf32, #tpu.memory_space<vmem>>, vector<16xf32>,
        tpu.vector_store %arg16[%swap3A], %select_n3A_176 {strides = array<i32>} : memref<80416xf32, #tpu.memory_space<vmem>>, vector<16xf32>,
        %sub3A_181 = arith.constant 13 : i32
        %sub3A_182 = arith.subi %sub3A_181, %select_n3A_87 : i32
        %jit3A_183 = arith.constant 2 : i32
        %div3A_184 = arith.divsi %sub3A_182, %jit3A_183 : i32
        %sign3A_185 = arith.constant 0 : i32
        %sign3A_186 = arith.cmpi sgt, %sub3A_182, %sign3A_185 : i32
        %sign3A_187 = arith.extui %sign3A_186 : i1 to i32
        %sign3A_188 = arith.constant 0 : i32
        %sign3A_189 = arith.cmpi slt, %sub3A_182, %sign3A_188 : i32
        %sign3A_190 = arith.extui %sign3A_189 : i1 to i32
        %sign3A_191 = arith.subi %sign3A_187, %sign3A_190 : i32
        %sign3A_192 = arith.constant 0 : i32
        %sign3A_193 = arith.cmpi sgt, %jit3A_183, %sign3A_192 : i32
        %sign3A_194 = arith.extui %sign3A_193 : i1 to i32
        %sign3A_195 = arith.constant 0 : i32
        %sign3A_196 = arith.cmpi slt, %jit3A_183, %sign3A_195 : i32
        %sign3A_197 = arith.extui %sign3A_196 : i1 to i32
        %sign3A_198 = arith.subi %sign3A_194, %sign3A_197 : i32
        %ne3A_199 = arith.cmpi ne, %sign3A_191, %sign3A_198 : i32
        %rem3A_200 = arith.remsi %sub3A_182, %jit3A_183 : i32
        %ne3A_201 = arith.constant 0 : i32
        %ne3A_202 = arith.cmpi ne, %rem3A_200, %ne3A_201 : i32
        %and3A_203 = arith.andi %ne3A_199, %ne3A_202 : i1
        %sub3A_204 = arith.constant 1 : i32
        %sub3A_205 = arith.subi %div3A_184, %sub3A_204 : i32
        %select_n3A_206 = arith.select %and3A_203, %sub3A_205, %div3A_184 : i32
        %while3A_207 = arith.constant 0 : i32
        %while3A_208 = arith.constant 0 : i32
        %while3A_209 = arith.subi %select_n3A_206, %while3A_208 : i32
        %while3A_210 = arith.addi %while3A_208, %while3A_209 : i32
        %while3A_211 = arith.constant 1 : i32
        %while3A_212 = arith.divsi %while3A_209, %while3A_211 : i32
        %while3A_213 = arith.muli %while3A_212, %while3A_211 : i32
        %while3A_214 = arith.addi %while3A_208, %while3A_213 : i32
        %while3A_215 = arith.constant 1 : i32
        scf.for %while3A_217 = %while3A_208 to %while3A_214 step %while3A_215  : i32 {
          %add3A_218 = arith.constant 1 : i32
          %add3A_219 = arith.addi %select_n3A_87, %add3A_218 : i32
          %mul3A_220 = arith.constant 2 : i32
          %mul3A_221 = arith.muli %mul3A_220, %while3A_217 : i32
          %add3A_222 = arith.addi %add3A_219, %mul3A_221 : i32
          %mul3A_223 = arith.constant 16 : i32
          %mul3A_224 = arith.muli %add3A_222, %mul3A_223 : i32
          %get3A_225 = arith.index_cast %mul3A_224 : i32 to index
          %get3A_226 = tpu.vector_load %arg8[%get3A_225] {strides = array<i32>} : memref<208xi32, #tpu.memory_space<vmem>>, vector<16xi32>,
          %sub3A_227 = arith.subi %gather3A, %get3A_226 : vector<16xi32>
          %abs3A_228 = math.absi %sub3A_227 : vector<16xi32>
          %convert_element_type3A_229 = arith.sitofp %abs3A_228 : vector<16xi32> to vector<16xf32>
          %max3A_230 = arith.constant 1.000000e+00 : f32
          %max3A_231 = vector.broadcast %max3A_230 : f32 to vector<16xf32>
          %max3A_232 = arith.maximumf %convert_element_type3A_229, %max3A_231 : vector<16xf32>
          %bitcast3A_233 = vector.bitcast %max3A_232 : vector<16xf32> to vector<16xi32>
          %shift_right_logical3A_234 = arith.constant 16 : i32
          %shift_right_logical3A_235 = vector.broadcast %shift_right_logical3A_234 : i32 to vector<16xi32>
          %shift_right_logical3A_236 = arith.shrui %bitcast3A_233, %shift_right_logical3A_235 : vector<16xi32>
          %sub3A_237 = arith.subi %shift_right_logical3A_236, %broadcast_in_dim3A_15 : vector<16xi32>
          %gather3A_238 = tpu.vector_load_idx %arg11[%sub3A_237] : memref<4096xf32, #tpu.memory_space<vmem>>[vector<16xi32>], vector<16xf32>,
          %gather3A_239 = tpu.vector_load_idx %arg13[%sub3A_237] : memref<4096xf32, #tpu.memory_space<vmem>>[vector<16xi32>], vector<16xf32>,
          %gather3A_240 = tpu.vector_load_idx %arg14[%sub3A_237] : memref<4096xf32, #tpu.memory_space<vmem>>[vector<16xi32>], vector<16xf32>,
          %ge3A_241 = arith.cmpf oge, %max3A_232, %gather3A_238 : vector<16xf32>
          %select_n3A_242 = arith.select %ge3A_241, %gather3A_240, %gather3A_239 : vector<16xi1>, vector<16xf32>
          %mul3A_243 = arith.constant 16 : i32
          %mul3A_244 = arith.muli %add3A_222, %mul3A_243 : i32
          %add3A_245 = arith.addi %sub3A_65, %mul3A_244 : i32
          %get3A_246 = arith.index_cast %add3A_245 : i32 to index
          %get3A_247 = tpu.vector_load %arg10[%get3A_246] {strides = array<i32>} : memref<408xf32, #tpu.memory_space<vmem>>, vector<16xf32>,
          %add3A_248 = arith.addf %select_n3A_242, %get3A_247 : vector<16xf32>
          %mul3A_249 = arith.constant 16 : i32
          %mul3A_250 = arith.muli %add3A_222, %mul3A_249 : i32
          %add3A_251 = arith.addi %add3A_64, %mul3A_250 : i32
          %swap3A_252 = arith.index_cast %add3A_251 : i32 to index
          %swap3A_253 = tpu.vector_load %arg16[%swap3A_252] {strides = array<i32>} : memref<80416xf32, #tpu.memory_space<vmem>>, vector<16xf32>,
          tpu.vector_store %arg16[%swap3A_252], %add3A_248 {strides = array<i32>} : memref<80416xf32, #tpu.memory_space<vmem>>, vector<16xf32>,
          %add3A_254 = arith.constant 1 : i32
          %add3A_255 = arith.addi %add3A_222, %add3A_254 : i32
          %min3A_256 = arith.constant 12 : i32
          %min3A_257 = arith.minsi %add3A_255, %min3A_256 : i32
          %mul3A_258 = arith.constant 16 : i32
          %mul3A_259 = arith.muli %min3A_257, %mul3A_258 : i32
          %get3A_260 = arith.index_cast %mul3A_259 : i32 to index
          %get3A_261 = tpu.vector_load %arg8[%get3A_260] {strides = array<i32>} : memref<208xi32, #tpu.memory_space<vmem>>, vector<16xi32>,
          %sub3A_262 = arith.subi %gather3A, %get3A_261 : vector<16xi32>
          %abs3A_263 = math.absi %sub3A_262 : vector<16xi32>
          %convert_element_type3A_264 = arith.sitofp %abs3A_263 : vector<16xi32> to vector<16xf32>
          %max3A_265 = arith.constant 1.000000e+00 : f32
          %max3A_266 = vector.broadcast %max3A_265 : f32 to vector<16xf32>
          %max3A_267 = arith.maximumf %convert_element_type3A_264, %max3A_266 : vector<16xf32>
          %bitcast3A_268 = vector.bitcast %max3A_267 : vector<16xf32> to vector<16xi32>
          %shift_right_logical3A_269 = arith.constant 16 : i32
          %shift_right_logical3A_270 = vector.broadcast %shift_right_logical3A_269 : i32 to vector<16xi32>
          %shift_right_logical3A_271 = arith.shrui %bitcast3A_268, %shift_right_logical3A_270 : vector<16xi32>
          %sub3A_272 = arith.subi %shift_right_logical3A_271, %broadcast_in_dim3A_15 : vector<16xi32>
          %gather3A_273 = tpu.vector_load_idx %arg11[%sub3A_272] : memref<4096xf32, #tpu.memory_space<vmem>>[vector<16xi32>], vector<16xf32>,
          %gather3A_274 = tpu.vector_load_idx %arg13[%sub3A_272] : memref<4096xf32, #tpu.memory_space<vmem>>[vector<16xi32>], vector<16xf32>,
          %gather3A_275 = tpu.vector_load_idx %arg14[%sub3A_272] : memref<4096xf32, #tpu.memory_space<vmem>>[vector<16xi32>], vector<16xf32>,
          %ge3A_276 = arith.cmpf oge, %max3A_267, %gather3A_273 : vector<16xf32>
          %select_n3A_277 = arith.select %ge3A_276, %gather3A_275, %gather3A_274 : vector<16xi1>, vector<16xf32>
          %mul3A_278 = arith.constant 16 : i32
          %mul3A_279 = arith.muli %min3A_257, %mul3A_278 : i32
          %add3A_280 = arith.addi %sub3A_65, %mul3A_279 : i32
          %get3A_281 = arith.index_cast %add3A_280 : i32 to index
          %get3A_282 = tpu.vector_load %arg10[%get3A_281] {strides = array<i32>} : memref<408xf32, #tpu.memory_space<vmem>>, vector<16xf32>,
          %add3A_283 = arith.addf %select_n3A_277, %get3A_282 : vector<16xf32>
          %mul3A_284 = arith.constant 16 : i32
          %mul3A_285 = arith.muli %min3A_257, %mul3A_284 : i32
          %add3A_286 = arith.addi %add3A_64, %mul3A_285 : i32
          %swap3A_287 = arith.index_cast %add3A_286 : i32 to index
          %swap3A_288 = tpu.vector_load %arg16[%swap3A_287] {strides = array<i32>} : memref<80416xf32, #tpu.memory_space<vmem>>, vector<16xf32>,
          tpu.vector_store %arg16[%swap3A_287], %add3A_283 {strides = array<i32>} : memref<80416xf32, #tpu.memory_space<vmem>>, vector<16xf32>,
        }
        %while3A_216 = arith.constant 1 : i32
        scf.for %while3A_217 = %while3A_214 to %while3A_210 step %while3A_216  : i32 {
          %add3A_218 = arith.constant 1 : i32
          %add3A_219 = arith.addi %select_n3A_87, %add3A_218 : i32
          %mul3A_220 = arith.constant 2 : i32
          %mul3A_221 = arith.muli %mul3A_220, %while3A_217 : i32
          %add3A_222 = arith.addi %add3A_219, %mul3A_221 : i32
          %mul3A_223 = arith.constant 16 : i32
          %mul3A_224 = arith.muli %add3A_222, %mul3A_223 : i32
          %get3A_225 = arith.index_cast %mul3A_224 : i32 to index
          %get3A_226 = tpu.vector_load %arg8[%get3A_225] {strides = array<i32>} : memref<208xi32, #tpu.memory_space<vmem>>, vector<16xi32>,
          %sub3A_227 = arith.subi %gather3A, %get3A_226 : vector<16xi32>
          %abs3A_228 = math.absi %sub3A_227 : vector<16xi32>
          %convert_element_type3A_229 = arith.sitofp %abs3A_228 : vector<16xi32> to vector<16xf32>
          %max3A_230 = arith.constant 1.000000e+00 : f32
          %max3A_231 = vector.broadcast %max3A_230 : f32 to vector<16xf32>
          %max3A_232 = arith.maximumf %convert_element_type3A_229, %max3A_231 : vector<16xf32>
          %bitcast3A_233 = vector.bitcast %max3A_232 : vector<16xf32> to vector<16xi32>
          %shift_right_logical3A_234 = arith.constant 16 : i32
          %shift_right_logical3A_235 = vector.broadcast %shift_right_logical3A_234 : i32 to vector<16xi32>
          %shift_right_logical3A_236 = arith.shrui %bitcast3A_233, %shift_right_logical3A_235 : vector<16xi32>
          %sub3A_237 = arith.subi %shift_right_logical3A_236, %broadcast_in_dim3A_15 : vector<16xi32>
          %gather3A_238 = tpu.vector_load_idx %arg11[%sub3A_237] : memref<4096xf32, #tpu.memory_space<vmem>>[vector<16xi32>], vector<16xf32>,
          %gather3A_239 = tpu.vector_load_idx %arg13[%sub3A_237] : memref<4096xf32, #tpu.memory_space<vmem>>[vector<16xi32>], vector<16xf32>,
          %gather3A_240 = tpu.vector_load_idx %arg14[%sub3A_237] : memref<4096xf32, #tpu.memory_space<vmem>>[vector<16xi32>], vector<16xf32>,
          %ge3A_241 = arith.cmpf oge, %max3A_232, %gather3A_238 : vector<16xf32>
          %select_n3A_242 = arith.select %ge3A_241, %gather3A_240, %gather3A_239 : vector<16xi1>, vector<16xf32>
          %mul3A_243 = arith.constant 16 : i32
          %mul3A_244 = arith.muli %add3A_222, %mul3A_243 : i32
          %add3A_245 = arith.addi %sub3A_65, %mul3A_244 : i32
          %get3A_246 = arith.index_cast %add3A_245 : i32 to index
          %get3A_247 = tpu.vector_load %arg10[%get3A_246] {strides = array<i32>} : memref<408xf32, #tpu.memory_space<vmem>>, vector<16xf32>,
          %add3A_248 = arith.addf %select_n3A_242, %get3A_247 : vector<16xf32>
          %mul3A_249 = arith.constant 16 : i32
          %mul3A_250 = arith.muli %add3A_222, %mul3A_249 : i32
          %add3A_251 = arith.addi %add3A_64, %mul3A_250 : i32
          %swap3A_252 = arith.index_cast %add3A_251 : i32 to index
          %swap3A_253 = tpu.vector_load %arg16[%swap3A_252] {strides = array<i32>} : memref<80416xf32, #tpu.memory_space<vmem>>, vector<16xf32>,
          tpu.vector_store %arg16[%swap3A_252], %add3A_248 {strides = array<i32>} : memref<80416xf32, #tpu.memory_space<vmem>>, vector<16xf32>,
          %add3A_254 = arith.constant 1 : i32
          %add3A_255 = arith.addi %add3A_222, %add3A_254 : i32
          %min3A_256 = arith.constant 12 : i32
          %min3A_257 = arith.minsi %add3A_255, %min3A_256 : i32
          %mul3A_258 = arith.constant 16 : i32
          %mul3A_259 = arith.muli %min3A_257, %mul3A_258 : i32
          %get3A_260 = arith.index_cast %mul3A_259 : i32 to index
          %get3A_261 = tpu.vector_load %arg8[%get3A_260] {strides = array<i32>} : memref<208xi32, #tpu.memory_space<vmem>>, vector<16xi32>,
          %sub3A_262 = arith.subi %gather3A, %get3A_261 : vector<16xi32>
          %abs3A_263 = math.absi %sub3A_262 : vector<16xi32>
          %convert_element_type3A_264 = arith.sitofp %abs3A_263 : vector<16xi32> to vector<16xf32>
          %max3A_265 = arith.constant 1.000000e+00 : f32
          %max3A_266 = vector.broadcast %max3A_265 : f32 to vector<16xf32>
          %max3A_267 = arith.maximumf %convert_element_type3A_264, %max3A_266 : vector<16xf32>
          %bitcast3A_268 = vector.bitcast %max3A_267 : vector<16xf32> to vector<16xi32>
          %shift_right_logical3A_269 = arith.constant 16 : i32
          %shift_right_logical3A_270 = vector.broadcast %shift_right_logical3A_269 : i32 to vector<16xi32>
          %shift_right_logical3A_271 = arith.shrui %bitcast3A_268, %shift_right_logical3A_270 : vector<16xi32>
          %sub3A_272 = arith.subi %shift_right_logical3A_271, %broadcast_in_dim3A_15 : vector<16xi32>
          %gather3A_273 = tpu.vector_load_idx %arg11[%sub3A_272] : memref<4096xf32, #tpu.memory_space<vmem>>[vector<16xi32>], vector<16xf32>,
          %gather3A_274 = tpu.vector_load_idx %arg13[%sub3A_272] : memref<4096xf32, #tpu.memory_space<vmem>>[vector<16xi32>], vector<16xf32>,
          %gather3A_275 = tpu.vector_load_idx %arg14[%sub3A_272] : memref<4096xf32, #tpu.memory_space<vmem>>[vector<16xi32>], vector<16xf32>,
          %ge3A_276 = arith.cmpf oge, %max3A_267, %gather3A_273 : vector<16xf32>
          %select_n3A_277 = arith.select %ge3A_276, %gather3A_275, %gather3A_274 : vector<16xi1>, vector<16xf32>
          %mul3A_278 = arith.constant 16 : i32
          %mul3A_279 = arith.muli %min3A_257, %mul3A_278 : i32
          %add3A_280 = arith.addi %sub3A_65, %mul3A_279 : i32
          %get3A_281 = arith.index_cast %add3A_280 : i32 to index
          %get3A_282 = tpu.vector_load %arg10[%get3A_281] {strides = array<i32>} : memref<408xf32, #tpu.memory_space<vmem>>, vector<16xf32>,
          %add3A_283 = arith.addf %select_n3A_277, %get3A_282 : vector<16xf32>
          %mul3A_284 = arith.constant 16 : i32
          %mul3A_285 = arith.muli %min3A_257, %mul3A_284 : i32
          %add3A_286 = arith.addi %add3A_64, %mul3A_285 : i32
          %swap3A_287 = arith.index_cast %add3A_286 : i32 to index
          %swap3A_288 = tpu.vector_load %arg16[%swap3A_287] {strides = array<i32>} : memref<80416xf32, #tpu.memory_space<vmem>>, vector<16xf32>,
          tpu.vector_store %arg16[%swap3A_287], %add3A_283 {strides = array<i32>} : memref<80416xf32, #tpu.memory_space<vmem>>, vector<16xf32>,
        }
      }
      %scan3A_51 = arith.constant 201 : i32
      %add3A_52 = arith.constant 200 : i32
      %add3A_53 = arith.addi %mul3A_43, %add3A_52 : i32
      %mul3A_54 = arith.constant 40000 : i32
      %mul3A_55 = arith.muli %add3A_40, %mul3A_54 : i32
      %dma_start3A = tpu.memref_slice %arg16[%add3A_53] : memref<80416xf32, #tpu.memory_space<vmem>> -> memref<40000xf32, #tpu.memory_space<vmem>>
      %dma_start3A_56 = tpu.memref_slice %arg7[%mul3A_55] : memref<40960000xf32, #tpu.memory_space<hbm>> -> memref<40000xf32, #tpu.memory_space<hbm>>
      %dma_start3A_57 = tpu.memref_slice %arg7[%mul3A_55] : memref<40960000xf32, #tpu.memory_space<hbm>> -> memref<40000xf32, #tpu.memory_space<hbm>>
      %dma_start3A_58 = tpu.memref_slice %arg16[%add3A_53] : memref<80416xf32, #tpu.memory_space<vmem>> -> memref<40000xf32, #tpu.memory_space<vmem>>
      tpu.enqueue_dma source(%dma_start3A_58 : memref<40000xf32, #tpu.memory_space<vmem>>) target(%dma_start3A_57 : memref<40000xf32, #tpu.memory_space<hbm>>) target_semaphore(%arg17 : memref<!tpu.dma_semaphore, #tpu.memory_space<semaphore_mem>>)
    }
    %scan3A_21 = arith.constant 32 : i32
    %dma_wait3A = arith.constant 0 : i32
    %dma_wait3A_22 = tpu.memref_slice %arg16[%dma_wait3A] : memref<80416xf32, #tpu.memory_space<vmem>> -> memref<40000xf32, #tpu.memory_space<vmem>>
    %dma_wait3A_23 = arith.constant 0 : i32
    %dma_wait3A_24 = tpu.memref_slice %arg7[%dma_wait3A_23] : memref<40960000xf32, #tpu.memory_space<hbm>> -> memref<40000xf32, #tpu.memory_space<hbm>>
    %dma_wait3A_25 = arith.constant 0 : i32
    %dma_wait3A_26 = tpu.memref_slice %arg7[%dma_wait3A_25] : memref<40960000xf32, #tpu.memory_space<hbm>> -> memref<40000xf32, #tpu.memory_space<hbm>>
    %dma_wait3A_27 = arith.constant 0 : i32
    %dma_wait3A_28 = tpu.memref_slice %arg16[%dma_wait3A_27] : memref<80416xf32, #tpu.memory_space<vmem>> -> memref<40000xf32, #tpu.memory_space<vmem>>
    tpu.wait_dma2 semaphore(%arg17 : memref<!tpu.dma_semaphore, #tpu.memory_space<semaphore_mem>>) src(%dma_wait3A_28 : memref<40000xf32, #tpu.memory_space<vmem>>) dst(%dma_wait3A_26 : memref<40000xf32, #tpu.memory_space<hbm>>)
    %dma_wait3A_29 = arith.constant 0 : i32
    %dma_wait3A_30 = tpu.memref_slice %arg16[%dma_wait3A_29] : memref<80416xf32, #tpu.memory_space<vmem>> -> memref<40000xf32, #tpu.memory_space<vmem>>
    %dma_wait3A_31 = arith.constant 0 : i32
    %dma_wait3A_32 = tpu.memref_slice %arg7[%dma_wait3A_31] : memref<40960000xf32, #tpu.memory_space<hbm>> -> memref<40000xf32, #tpu.memory_space<hbm>>
    %dma_wait3A_33 = arith.constant 0 : i32
    %dma_wait3A_34 = tpu.memref_slice %arg7[%dma_wait3A_33] : memref<40960000xf32, #tpu.memory_space<hbm>> -> memref<40000xf32, #tpu.memory_space<hbm>>
    %dma_wait3A_35 = arith.constant 0 : i32
    %dma_wait3A_36 = tpu.memref_slice %arg16[%dma_wait3A_35] : memref<80416xf32, #tpu.memory_space<vmem>> -> memref<40000xf32, #tpu.memory_space<vmem>>
    tpu.wait_dma2 semaphore(%arg17 : memref<!tpu.dma_semaphore, #tpu.memory_space<semaphore_mem>>) src(%dma_wait3A_36 : memref<40000xf32, #tpu.memory_space<vmem>>) dst(%dma_wait3A_34 : memref<40000xf32, #tpu.memory_space<hbm>>)
    return
  }
}

</mosaic_0001>

<sc_bundles>
// kernel: kernel.3.cloned.1.call-start
scs
__scs_entry_jumppad:
0x0: {  	(pc) =	sbr.rel $0x88, $3  }
0x1: {  	(tag) =	ssettag $0x0;
	lr =	simm.s32 $0x1  }
0x2: {  	[smem:$0x3F9E] =	sst lr;
	_ =	strace $0xD0000000  }
0x3: {  	_ = 	snop  }
0x4: {  	_ = 	snop  }
0x5: {  	_ = 	snop  }
0x6: {  	_ = 	snop  }
0x7: {  	_ = 	snop  }
__scs_overlays_trampoline_lowered:
0x8: {  	[smem:$0x3FAD] =	sst s0  }
0x9: {  	[smem:$0x3FAE] =	sst s1  }
0xa: {  	[smem:$0x3FAF] =	sst s2  }
0xb: {  	[smem:$0x3FB0] =	sst s3  }
0xc: {  	[smem:$0x3FB1] =	sst s4  }
0xd: {  	[smem:$0x3FB2] =	sst s5  }
0xe: {  	[smem:$0x3FB3] =	sst s6  }
0xf: {  	[smem:$0x3FB4] =	sst s7  }
0x10: {  	[smem:$0x3FB5] =	sst s8  }
0x11: {  	[smem:$0x3FB6] =	sst s9;
	s0 =	simm.s32 @!p0 $0x0  }
0x12: {  	s1 =	sld [smem:$0x3F9C];
	s0 =	simm.s32 @p0 $0x1  }
0x13: {  	[smem:$0x3FB7] =	sst s0;
	s0 =	simm.s32 @!p1 $0x0  }
0x14: {  	s2 =	sld [smem:$0x3F9B];
	s0 =	simm.s32 @p1 $0x1  }
0x15: {  	[smem:$0x3FB8] =	sst s0;
	s0 =	simm.s32 @!p2 $0x0  }
0x16: {  	s3 =	sld [smem:$0x3FDB];
	s0 =	simm.s32 @p2 $0x1  }
0x17: {  	s4 =	simm.s32 $0x1BF5;
	[smem:$0x3FBA] =	sst s0  }
0x18: {  	s0 =	sld [smem:$0x3F9D];
	_ =	swait.ge [sflag:s4], $0x0  }
0x19: {  	s7 =	sld [smem:$0x3F9E]  }
0x1a: {  	s8 =	sadd.s32 $0xFFFFE003, lr  }
0x1b: {  	s9 =	sadd.s32 $0xFFFFFEF7, lr;
	s5 =	simm.s32 $0xFFFFFFFF;
	p2 =	slt.u32 s8, $0xFFFFF086  }
0x1c: {  	p1 =	slt.u32 s9, $0xF7A;
	s5 =	simm.s32 @!p2 $0x0  }
0x1d: {  	s5 =	simm.s32 @p1 $0x1;
	p0 =	seq.s32 s7, s2  }
0x1e: {  	s7 =	smul.u32 @!p0 $0xF7A, s2;
	p2 =	seq.s32 @!p0 s5, $0x0  }
0x1f: {  	s9 =	smul.u32 $0xF7A, s1;
	s8 =	simm.s32 @!p0 $0x1BF5;
	p2 =	por !p2, p0  }
0x20: {  	[sflag:s8] =	ssyncset.s32 @!p0 $0xFFFFF086;
	s6 =	sadd.s32 @!p0 s3, s7;
	s7 =	simm.s32 @!p0 $0x108  }
0x21: {  	s3 =	sadd.s32 s3, s9;
	s6 =	sadd.s32 @!p0 $0x88, s6;
	s7 =	simm.s32 @p2 $0x1082  }
0x22: {  	[simem:s7], [sflag:s8] =	dma.local @!p0 [hbm:s6], $0xF7A  }
0x23: {  	s9 =	sor.u32 $0xD0000000, s2;
	s6 =	simm.s32 $0x108;
	_ =	swait.ge @!p0 [sflag:s8], $0x0  }
0x24: {  	s3 =	sadd.s32 $0x88, s3;
	s6 =	simm.s32 @!p1 $0x1082;
	[sflag:s4] =	ssyncset.s32 $0xFFFFF086  }
0x25: {  	[simem:s6], [sflag:s4] =	dma.local [hbm:s3], $0xF7A  }
0x26: {  	[smem:$0x3F9E] =	sst s1;
	(tag) =	ssettag s2;
	_ =	strace s9  }
0x27: {  	s1 =	sld [smem:$0x3FAE]  }
0x28: {  	s2 =	sld [smem:$0x3FAF]  }
0x29: {  	s4 =	sld [smem:$0x3FB1]  }
0x2a: {  	p0 =	seq.s32 s5, $0x0;
	s5 =	sld [smem:$0x3FB2]  }
0x2b: {  	s6 =	sld [smem:$0x3FB3]  }
0x2c: {  	s7 =	sld [smem:$0x3FB4]  }
0x2d: {  	s3 =	simm.s32 $0x108;
	s8 =	sld [smem:$0x3FB5]  }
0x2e: {  	s3 =	simm.s32 @!p0 $0x1082;
	s9 =	sld [smem:$0x3FB6]  }
0x2f: {  	lr =	sadd.s32 s0, s3;
	s0 =	sld [smem:$0x3FAD]  }
0x30: {  	s3 =	sld [smem:$0x3FB0]  }
0x31: {  	[smem:$0x3FB9] =	sst s10  }
0x32: {  	s10 =	sld [smem:$0x3FB7];
	_ =	sdelay $0x3  }
0x33: {  	p0 =	seq.s32 s10, $0x1;
	s10 =	sld [smem:$0x3FB9];
	_ =	sdelay $0x3  }
0x34: {  	[smem:$0x3FB9] =	sst s10  }
0x35: {  	s10 =	sld [smem:$0x3FB8];
	_ =	sdelay $0x3  }
0x36: {  	p1 =	seq.s32 s10, $0x1;
	s10 =	sld [smem:$0x3FB9];
	_ =	sdelay $0x3  }
0x37: {  	[smem:$0x3FB9] =	sst s10  }
0x38: {  	s10 =	sld [smem:$0x3FBA]  }
0x39: {  	_ = 	snop;
	(pc) =	sbr.ind lr, $3  }
0x3a: {  	_ = 	snop  }
0x3b: {  	_ = 	snop  }
0x3c: {  	p2 =	seq.s32 s10, $0x1;
	s10 =	sld [smem:$0x3FB9]  }
0x3d: {  	_ =	shalt  }
0x3e: {  	_ =	shalt  }
0x3f: {  	_ =	shalt  }
0x40: {  	_ =	shalt  }
0x41: {  	_ =	shalt  }
0x42: {  	_ =	shalt  }
0x43: {  	_ =	shalt  }
0x44: {  	_ =	shalt  }
0x45: {  	_ =	shalt  }
0x46: {  	_ =	shalt  }
0x47: {  	_ =	shalt  }
0x48: {  	_ =	shalt  }
0x49: {  	_ =	shalt  }
0x4a: {  	_ =	shalt  }
0x4b: {  	_ =	shalt  }
0x4c: {  	_ =	shalt  }
0x4d: {  	_ =	shalt  }
0x4e: {  	_ =	shalt  }
0x4f: {  	_ =	shalt  }
0x50: {  	_ =	shalt  }
0x51: {  	_ =	shalt  }
0x52: {  	_ =	shalt  }
0x53: {  	_ =	shalt  }
0x54: {  	_ =	shalt  }
0x55: {  	_ =	shalt  }
0x56: {  	_ =	shalt  }
0x57: {  	_ =	shalt  }
0x58: {  	_ =	shalt  }
0x59: {  	_ =	shalt  }
0x5a: {  	_ =	shalt  }
0x5b: {  	_ =	shalt  }
0x5c: {  	_ =	shalt  }
0x5d: {  	_ =	shalt  }
0x5e: {  	_ =	shalt  }
0x5f: {  	_ =	shalt  }
0x60: {  	_ =	shalt  }
0x61: {  	_ =	shalt  }
0x62: {  	_ =	shalt  }
0x63: {  	_ =	shalt  }
0x64: {  	_ =	shalt  }
0x65: {  	_ =	shalt  }
0x66: {  	_ =	shalt  }
0x67: {  	_ =	shalt  }
0x68: {  	_ =	shalt  }
0x69: {  	_ =	shalt  }
0x6a: {  	_ =	shalt  }
0x6b: {  	_ =	shalt  }
0x6c: {  	_ =	shalt  }
0x6d: {  	_ =	shalt  }
0x6e: {  	_ =	shalt  }
0x6f: {  	_ =	shalt  }
0x70: {  	_ =	shalt  }
0x71: {  	_ =	shalt  }
0x72: {  	_ =	shalt  }
0x73: {  	_ =	shalt  }
0x74: {  	_ =	shalt  }
0x75: {  	_ =	shalt  }
0x76: {  	_ =	shalt  }
0x77: {  	_ =	shalt  }
0x78: {  	_ =	shalt  }
0x79: {  	_ =	shalt  }
0x7a: {  	_ =	shalt  }
0x7b: {  	_ =	shalt  }
0x7c: {  	_ =	shalt  }
0x7d: {  	_ =	shalt  }
0x7e: {  	_ =	shalt  }
0x7f: {  	_ =	shalt  }
0x80: {  	_ =	shalt  }
0x81: {  	_ =	shalt  }
0x82: {  	_ =	shalt  }
0x83: {  	_ =	shalt  }
0x84: {  	_ =	shalt  }
0x85: {  	_ =	shalt  }
0x86: {  	_ =	shalt  }
0x87: {  	_ =	shalt  }
.Lfunc_end0:
.L_simem_size_0:
called_computation.1_lowered:
.L_overlay_start_0:
0x88: {  	s2 =	sld [smem:$0x3FD9]  }
0x89: {  	s3 =	sld [smem:$0x3FFE];
	_ =	sdelay $0x1  }
0x8a: {  	s1 =	srdreg.scid  }
0x8b: {  	s0 =	sand.u32 $0x1, s1  }
0x8c: {  	s17 =	sshll.u32 s0, $0xA;
	s2 =	sadd.s32 s3, s2  }
0x8d: {  	s2 =	sadd.s32 s2, s17  }
0x8e: {  	[smem:$0x3FC5] =	sst s2  }
0x8f: {  	_ = 	snop  }
0x90: {  	s2 =	sld [smem:$0x3FD0];
	(tm) =	ssettm $0x1  }
0x91: {  	s18 =	sld [smem:$0x3FFB];
	_ =	sdelay $0x3  }
0x92: {  	_ =	strace s18  }
0x93: {  	s3 =	sld [smem:$0x3FFC];
	_ =	sdelay $0x3  }
0x94: {  	_ =	strace s3  }
0x95: {  	s3 =	sld [smem:$0x3FFD];
	_ =	sdelay $0x3  }
0x96: {  	_ =	strace s3  }
0x97: {  	_ =	strace $0x8FFFFFFF  }
0x98: {  	s19 =	sld [smem:$0x3FDB];
	_ =	sdelay $0x1  }
0x99: {  	s4 =	simm.s32 $_scs_section_size  }
0x9a: {  	s5 =	simm.s32 $_size__tile_overlayer_lowered;
	s6 =	simm.s32 $_tile_overlayer_lowered  }
0x9b: {  	s22 =	simm.s32 $0x1BFF;
	s21 =	sshll.u32 s6, $0x1;
	s3 =	sadd.s32 s4, s19  }
0x9c: {  	s7 =	simm.s32 $0x0;
	s20 =	sshll.u32 s5, $0x1;
	s5 =	sadd.s32 s21, s3  }
0x9d: {  	[timem:s7], [sflag:s22] =	dma.local [hbm:s5], s20  }
0x9e: {  	_ =	swait.ge [sflag:s22], s20  }
0x9f: {  	s4 =	ssub.s32 $0x0, s20;
	[sflag:s22] =	ssyncset.done $0x0  }
0xa0: {  	[sflag:s22] =	ssyncadd.s32 s4;
	_ =	sdelay $0x1  }
0xa1: {  	s23 =	simm.s32 $0x1B8B  }
0xa2: {  	_ =	swait.ge [sflag:s23], $0x1  }
0xa3: {  	[sflag:s23] =	ssyncset.done $0x0  }
0xa4: {  	s25 =	simm.s32 $0x1B8E;
	s24 =	sld [smem:$0x3FFE];
	[sflag:s23] =	ssyncadd.s32 $0xFFFFFFFF  }
0xa5: {  	s26 =	simm.s32 $execute0_lowered;
	[smem:$0x3FD2] =	sst s25  }
0xa6: {  	s5 =	sshll.u32 s26, $0x1;
	_ =	strace $0x80000046;
	[dreg:$0x1] =	wrdreg $0xFFFFFFFF  }
0xa7: {  	s28 =	simm.s32 $_size_execute0_lowered;
	s3 =	sadd.s32 s3, s5;
	[dreg:$0x0] =	wrdreg $0x0  }
0xa8: {  	s5 =	sshll.u32 s28, $0x1;
	[dreg:$0x2] =	wrdreg s3  }
0xa9: {  	[dreg:$0x3] =	wrdreg s5  }
0xaa: {  	[dreg:$0x4] =	wrdreg $0xC0  }
0xab: {  	_ =	task [dreg:s7], $0x5FFFF  }
0xac: {  	[dreg:$0x1] =	wrdreg $0xFFFFFFFF  }
0xad: {  	[dreg:$0x0] =	wrdreg $0x60  }
0xae: {  	[dreg:$0x2] =	wrdreg s24  }
0xaf: {  	[dreg:$0x3] =	wrdreg s2  }
0xb0: {  	[dreg:$0x4] =	wrdreg $0x9  }
0xb1: {  	_ =	task.clear_ibuf [dreg:s7], $0x5FFFF;
	_ =	strace $0x90000046  }
0xb2: {  	s29 =	simm.s32 $0x9;
	_ =	strace $0x80000048  }
0xb3: {  	_ =	swait.ge [sflag:s29], $0x1  }
0xb4: {  	[sflag:s29] =	ssyncadd.s32 $0xFFFFFFFF  }
0xb5: {  	_ =	strace $0x90000048  }
0xb6: {  	_ =	sfence  }
0xb7: {  	s30 =	sld [smem:$0x0];
	_ =	sdelay $0x2  }
0xb8: {  	s31 =	sshll.u32 s1, $0xD;
	s1 =	sshrl.u32 s1, $0x2  }
0xb9: {  	s3 =	sand.u32 $0x4000, s31;
	s1 =	sadd.s32 s1, s30  }
0xba: {  	s0 =	sor.u32 s3, s0;
	s1 =	sshll.u32 s1, $0x11  }
0xbb: {  	s0 =	sor.u32 s1, s0  }
0xbc: {  	s0 =	sadd.s32 $0x8F2B, s0  }
0xbd: {  	[sflag:s0] =	ssyncadd.remote.s32 $0x1  }
0xbe: {  	_ =	sfence.sel $0xFFFF  }
0xbf: {  	[dreg:$0x0] =	wrdreg $0xFFFFFFFF;
	(pc) =	sbr.abs _section_cstart, $3  }
0xc0: {  	[dreg:$0x1] =	wrdreg $0xFFFFFFFF  }
0xc1: {  	_ =	task.clear_ibuf [dreg:s7], $0x2FFFF;
	_ =	strace $0x9FFFFFFF  }
0xc2: {  	(tm) =	ssettm $0x7FFFFFFF  }
0xc3: {  	_ =	shalt  }
tec
execute0_lowered:
.L_overlay_start_1:
0x0: {  	(tag) =	ssettag $0x1  }
0x1: {  	s0 =	rddreg [dreg:$0x0];
	s2 =	simm.s32 $0x0;
	s1 =	srdreg.scid  }
0x2: {  	s29 =	stileid.u32;
	s11 =	simm.s32 $0x100;
	s12 =	simm.s32 $0x2  }
0x3: {  	s13 =	simm.s32 $0x200;
	s14 =	simm.s32 $0x400;
	s18 =	simm.s32 $0x2400  }
0x4: {  	s19 =	simm.s32 $0x3400;
	[smem:$0x7FF] =	sst s2;
	s3 =	sadd.s32 $0xC00, s0  }
0x5: {  	s25 =	sadd.s32 $0x800, s0;
	s1 =	sand.u32 $0x1, s1;
	s26 =	sadd.s32 $0xA00, s0  }
0x6: {  	s28 =	sadd.s32 $0x8E00, s0;
	_ =	strace $0x80000047;
	[dreg:$0x3] =	wrdreg s3  }
.Ltmp0:
0x7: {  	[dreg:$0x4] =	wrdreg s25;
	s4 =	ssub.s32 $0x2, s1;
	(pc) =	sbr.rel .LBB2_1-.Ltmp0, $4  }
0x8: {  	v0 =	vlaneseq.u32;
	s0 =	sadd.s32 $0x8C00, s0;
	[dreg:$0x5] =	wrdreg s26;
	s30 =	sshrl.u32 s4, $0x1  }
0x9: {  	s31 =	sshll.u32 s29, $0x6;
	v1 =	vmul.u32 $0xFFFFFFFF, v0;
	[dreg:$0x7] =	wrdreg s0;
	s0 =	ssub.s32 s4, s30  }
0xa: {  	[dreg:$0x6] =	wrdreg s28;
	s1 =	sshll.u32 s1, $0x5;
	s0 =	smax.u32 s0, $0x1  }
0xb: {  	v2 =	vmul.u32 $0xC8, v0;
	s3 =	simm.s32 $0x0;
	s9 =	sor.u32 s1, s31;
	v1 =	vadd.s32 $0x190, v1;
	[dreg:$0x8] =	wrdreg s0  }
.LBB2_19:
0xc: {  	s1 =	simm.s32 $0x1  }
0xd: {  	_ =	swait.ge [sflag:s1], $0x9C40  }
0xe: {  	[sflag:s1] =	ssyncset.done $0x0  }
0xf: {  	[sflag:s1] =	ssyncadd.s32 $0xFFFF63C0  }
0x10: {  	_ =	swait.ge [sflag:s1], $0x9C40  }
0x11: {  	s3 =	rddreg [dreg:$0x9]  }
0x12: {  	s0 =	rddreg [dreg:$0x8];
	s3 =	sadd.s32 $0x1, s3  }
0x13: {  	p0 =	sne.s32 s3, s0  }
.Ltmp1:
0x14: {  	_ = 	snop;
	(pc) =	sbr.rel @!p0 .LBB2_20-.Ltmp1, $3  }
0x15: {  	_ =	sdelay $0x1  }
0x16: {  	[sflag:s1] =	ssyncset.done $0x0  }
0x17: {  	[sflag:s1] =	ssyncadd.s32 $0xFFFF63C0  }
.LBB2_1:
0x18: {  	s0 =	rddreg [dreg:$0x4]  }
0x19: {  	[tilespmem:s11], [sflag:$0x2] =	stream.linear.gather [hbm4b:s0+s2], $0x100, $0x38;
	[tilespmem:$0x17F80] =	vst v63  }
0x1a: {  	_ =	swait.ge [sflag:s12], $0x100  }
0x1b: {  	[sflag:s12] =	ssyncset.done $0x0  }
0x1c: {  	s29 =	rddreg [dreg:$0x5];
	[sflag:s12] =	ssyncadd.s32 $0xFFFFFF00  }
0x1d: {  	[tilespmem:s13], [sflag:$0x2] =	stream.linear.gather [hbm4b:s29+s2], $0x200, $0x38;
	[tilespmem:$0x17F80] =	vst v63  }
0x1e: {  	_ =	swait.ge [sflag:s12], $0x200  }
0x1f: {  	[sflag:s12] =	ssyncset.done $0x0  }
0x20: {  	s30 =	rddreg [dreg:$0x6];
	[sflag:s12] =	ssyncadd.s32 $0xFFFFFE00  }
0x21: {  	[tilespmem:s14], [sflag:$0x2] =	stream.linear.gather [hbm4b:s30+s2], $0x1000, $0x38;
	[tilespmem:$0x17F80] =	vst v63  }
0x22: {  	_ =	swait.ge [sflag:s12], $0x1000  }
0x23: {  	[sflag:s12] =	ssyncset.done $0x0  }
0x24: {  	s1 =	simm.s32 $0x1400;
	s31 =	rddreg [dreg:$0x7];
	[sflag:s12] =	ssyncadd.s32 $0xFFFFF000  }
0x25: {  	[tilespmem:s1], [sflag:$0x2] =	stream.linear.gather [hbm4b:s31+s2], $0x1000, $0x38;
	[tilespmem:$0x17F80] =	vst v63  }
0x26: {  	_ =	swait.ge [sflag:s12], $0x1000  }
0x27: {  	[sflag:s12] =	ssyncset.done $0x0  }
0x28: {  	s0 =	simm.s32 $0x0;
	[sflag:s12] =	ssyncadd.s32 $0xFFFFF000  }
0x29: {  	v4 =	vld [tilespmem:s0+$0x1400];
	_ =	sdelay $0x7  }
0x2a: {  	v3 =	vld.idx.msk [tilespmem:v4+s11+$0x0], $0xffff  }
0x2b: {  	v4 =	vadd.s32 $0x1, v4;
	_ =	sdelay $0x2  }
0x2c: {  	s4 =	simm.s32 $0x80;
	s1 =	simm.s32 $0x10  }
.LBB2_2:
0x2d: {  	p0 =	sne.s32 s4, $0x3FC0;
	v5 =	vld [tilespmem:s1+$0x1400];
	[tilespmem:s0+$0x2400] =	vst v3  }
0x2e: {  	v3 =	vld.idx.msk [tilespmem:v4+s11+$0x0], $0xffff;
	_ =	sdelay $0x5  }
0x2f: {  	[tilespmem:s0+$0x3400] =	vst v3;
	s0 =	smov.u32 s1  }
0x30: {  	v3 =	vld.idx.msk [tilespmem:v5+s11+$0x0], $0xffff  }
.Ltmp2:
0x31: {  	(pc) =	sbr.rel @p0 .LBB2_2-.Ltmp2, $2  }
0x32: {  	v4 =	vadd.s32 $0x1, v5;
	_ =	sdelay $0x2  }
0x33: {  	s1 =	sshra.s32 s4, $0x2;
	s4 =	sadd.s32 $0x40, s4  }
0x34: {  	_ =	sdelay $0x1  }
0x35: {  	v5 =	vld [tilespmem:s1+$0x1400]  }
0x36: {  	[tilespmem:s0+$0x2400] =	vst v3  }
0x37: {  	v3 =	vld.idx.msk [tilespmem:v4+s11+$0x0], $0xffff;
	_ =	sdelay $0x4  }
0x38: {  	[tilespmem:s0+$0x3400] =	vst v3  }
0x39: {  	v3 =	vld.idx.msk [tilespmem:v5+s11+$0x0], $0xffff  }
0x3a: {  	v4 =	vadd.s32 $0x1, v5;
	_ =	sdelay $0x3  }
0x3b: {  	s21 =	simm.s32 $0x0;
	[tilespmem:s1+$0x2400] =	vst v3  }
0x3c: {  	v3 =	vld.idx.msk [tilespmem:v4+s11+$0x0], $0xffff;
	v4 =	vmov s21  }
0x3d: {  	v4 =	vsub.s32 v1, v4;
	_ =	sdelay $0x3  }
0x3e: {  	[tilespmem:s1+$0x3400] =	vst v3  }
0x3f: {  	s30 =	simm.s32 $0x200;
	v3 =	vld.idx.msk [tilespmem:v4+s13+$0x0], $0xffff  }
0x40: {  	v4 =	vld [tilespmem:s30+$0x0]  }
0x41: {  	s31 =	simm.s32 $0x10  }
0x42: {  	v5 =	vmov s31  }
0x43: {  	v5 =	vsub.s32 v1, v5;
	_ =	sdelay $0x1  }
0x44: {  	v3 =	vsub.f32 v4, v3  }
0x45: {  	s0 =	simm.s32 $0x4400  }
0x46: {  	[tilespmem:s0+$0x0] =	vst v3  }
0x47: {  	s1 =	simm.s32 $0x210;
	v3 =	vld.idx.msk [tilespmem:v5+s13+$0x0], $0xffff  }
0x48: {  	v4 =	vld [tilespmem:s1+$0x0]  }
0x49: {  	s4 =	simm.s32 $0x20  }
0x4a: {  	[dreg:$0x9] =	wrdreg s3;
	v5 =	vmov s4;
	s4 =	simm.s32 $0x30  }
.LBB2_4:
0x4b: {  	p0 =	sne.s32 s4, $0xD0;
	v5 =	vsub.s32 v1, v5;
	_ =	sdelay $0x1  }
0x4c: {  	v3 =	vsub.f32 v4, v3  }
0x4d: {  	s0 =	sadd.s32 $0x10, s0  }
.Ltmp3:
0x4e: {  	[tilespmem:s0+$0x0] =	vst v3;
	(pc) =	sbr.rel @p0 .LBB2_4-.Ltmp3, $3  }
0x4f: {  	s1 =	sadd.s32 $0x10, s1;
	v3 =	vld.idx.msk [tilespmem:v5+s13+$0x0], $0xffff  }
0x50: {  	v4 =	vld [tilespmem:s1+$0x0];
	_ =	sdelay $0x1  }
0x51: {  	v5 =	vmov s4;
	s4 =	sadd.s32 $0x10, s4  }
0x52: {  	v5 =	vsub.s32 v1, v5;
	_ =	sdelay $0x1  }
0x53: {  	v3 =	vsub.f32 v4, v3  }
0x54: {  	s0 =	sadd.s32 $0x10, s0  }
0x55: {  	[tilespmem:s0+$0x0] =	vst v3  }
0x56: {  	s1 =	sadd.s32 $0x10, s1;
	v3 =	vld.idx.msk [tilespmem:v5+s13+$0x0], $0xffff  }
0x57: {  	v63 =	vld [tilespmem:s1+$0x0];
	_ =	sdelay $0x2  }
.Ltmp4:
0x58: {  	_ = 	snop;
	(pc) =	sbr.rel .LBB2_6-.Ltmp4, $4  }
0x59: {  	_ = 	snop  }
0x5a: {  	v3 =	vsub.f32 v63, v3  }
0x5b: {  	s0 =	sadd.s32 $0x10, s0  }
0x5c: {  	[tilespmem:s0+$0x0] =	vst v3  }
.LBB2_18:
0x5d: {  	s21 =	sadd.s32 $0x1, s21  }
0x5e: {  	p0 =	sne.s32 s21, $0x20  }
.Ltmp5:
0x5f: {  	_ = 	snop;
	(pc) =	sbr.rel @!p0 .LBB2_19-.Ltmp5, $4  }
0x60: {  	s0 =	smul.u32 $0x1388, s22  }
0x61: {  	s1 =	rddreg [dreg:$0x1]  }
0x62: {  	s31 =	sadd.s32 $0x45C8, s23;
	s0 =	sadd.s32 s1, s0  }
0x63: {  	[hbm4b:s0+s2] =	stream.linear.scatter [tilespmem:s31], [sflag:$0x1], $0x9C40, $0x38;
	[tilespmem:$0x17F80] =	vst v63  }
.LBB2_6:
0x64: {  	s22 =	sadd.s32 s9, s21;
	s0 =	sshll.u32 s21, $0x4  }
0x65: {  	s3 =	rddreg [dreg:$0x3];
	s1 =	sshll.u32 s22, $0x5;
	s0 =	sand.u32 $0x70, s0  }
0x66: {  	s26 =	simm.s32 $0x80;
	s1 =	sand.u32 $0x7F00, s1;
	s0 =	sadd.s32 s3, s0  }
0x67: {  	p0 =	slt.u32 s21, $0x2;
	s30 =	sand.u32 $0x1, s21;
	s0 =	sadd.s32 s1, s0  }
0x68: {  	[tilespmem:s2], [sflag:$0x2] =	stream.strided.gather [hbm4b:s0+s26], $0x100, s14, s26, $0x38;
	[tilespmem:$0x17F80] =	vst v63  }
0x69: {  	s23 =	simm.s32 $0x9D10;
	s31 =	simm.s32 $0xFFFFFFFF;
	_ =	swait.ge [sflag:s12], $0x100  }
.Ltmp6:
0x6a: {  	s17 =	simm.s32 $0x44C8;
	[sflag:s12] =	ssyncset.done $0x0;
	(pc) =	sbr.rel .LBB2_8-.Ltmp6, $4  }
0x6b: {  	p1 =	seq.s32 s30, $0x1;
	s0 =	simm.s32 @!p0 $0x1;
	[sflag:s12] =	ssyncadd.s32 $0xFFFFFF00  }
0x6c: {  	s28 =	simm.s32 $0x0;
	s23 =	simm.s32 @!p1 $0x0;
	_ =	swait.ge @!p0 [sflag:s0], $0x9C40  }
0x6d: {  	s29 =	simm.s32 $0x2D8;
	s24 =	sadd.s32 $0x4500, s23;
	[sflag:s0] =	ssyncset.done @!p0 $0x0  }
0x6e: {  	s25 =	sadd.s32 $0x4510, s23;
	s8 =	smov.u32 s24;
	[sflag:s0] =	ssyncadd.s32 @!p0 $0xFFFF63C0  }
.LBB2_7:
0x6f: {  	p0 =	seq.s32 s31, $0xC8  }
.Ltmp7:
0x70: {  	_ = 	snop;
	(pc) =	sbr.rel @p0 .LBB2_18-.Ltmp7, $3  }
0x71: {  	_ =	sdelay $0x1  }
0x72: {  	s8 =	sadd.s32 $0xC8, s8;
	s17 =	sadd.s32 $0xFFFFFFFF, s17  }
0x73: {  	s28 =	sadd.s32 $0x1, s28;
	s25 =	sadd.s32 $0xC8, s25;
	s29 =	sadd.s32 $0xFFFFFFFF, s29  }
.LBB2_8:
0x74: {  	p0 =	sgt.s32 s31, $0x0;
	s0 =	smov.u32 s31  }
0x75: {  	s0 =	simm.s32 @!p0 $0x0  }
0x76: {  	s1 =	sand.u32 $0xF, s0  }
0x77: {  	p5 =	slt.s32 s31, $0x1;
	p1 =	sne.s32 s1, $0x0  }
0x78: {  	p0 =	por !p5, !p1  }
0x79: {  	s1 =	simm.s32 $0x1;
	p0 =	por !p0, !p0  }
0x7a: {  	s0 =	sshrl.u32 s0, $0x4;
	s1 =	simm.s32 @!p0 $0x0  }
0x7b: {  	p0 =	seq.s32 s31, $0xC7;
	s0 =	ssub.s32 s0, s1  }
0x7c: {  	s0 =	simm.s32 @p0 $0x0  }
0x7d: {  	s26 =	sadd.s32 $0x1, s0  }
0x7e: {  	s5 =	sand.u32 $0x1, s26  }
0x7f: {  	p6 =	slt.s32 s0, $0x0;
	p2 =	seq.s32 s5, $0x1  }
0x80: {  	p1 =	por !p6, !p2  }
0x81: {  	s5 =	simm.s32 $0x1;
	p1 =	por !p1, !p1  }
0x82: {  	s1 =	sshrl.u32 s26, $0x1;
	s5 =	simm.s32 @!p1 $0x0  }
0x83: {  	s4 =	smov.u32 s31;
	s31 =	sadd.s32 $0x1, s31;
	s1 =	ssub.s32 s1, s5  }
0x84: {  	v3 =	vmov s31;
	p1 =	slt.s32 s1, $0x1  }
.Ltmp8:
0x85: {  	_ = 	snop;
	(pc) =	sbr.rel @p1 .LBB2_15-.Ltmp8, $3  }
0x86: {  	s6 =	smul.u32 $0xC8, s31;
	_ =	sdelay $0x1  }
0x87: {  	s30 =	sadd.s32 s23, s6  }
0x88: {  	s15 =	ssub.s32 $0xC7, s4;
	v3 =	vld.idx.msk [tilespmem:v3+s2+$0x0], $0xffff;
	s5 =	sadd.s32 $0x4500, s30  }
0x89: {  	p2 =	sne.s32 s1, $0x1  }
.Ltmp9:
0x8a: {  	_ = 	snop;
	(pc) =	sbr.rel @!p2 .LBB2_10-.Ltmp9, $4  }
0x8b: {  	_ = 	snop  }
0x8c: {  	v4 =	vmov s5  }
0x8d: {  	s10 =	sadd.s32 $0x4400, s15;
	s6 =	sadd.s32 $0xFFFFFFFF, s0  }
0x8e: {  	s7 =	simm.s32 $0x1;
	s1 =	sadd.s32 $0xFFFFFFFF, s1;
	v6 =	vadd.s32 s28, v2;
	p1 =	por $0x0, $0x0;
	v5 =	vmov s10  }
0x8f: {  	_ =	sdelay $0x2  }
0x90: {  	p1 =	sgt.s32 s6, $0x1;
	s10 =	smov.u32 s6  }
0x91: {  	v6 =	vld.idx.msk [tilespmem:v6+s24+$0x0], $0xffff;
	s10 =	smov.u32 @p1 s7  }
0x92: {  	v7 =	vld [tilespmem:s17+$0x0];
	s16 =	smul.u32 $0xC80, s10;
	_ =	sdelay $0x1  }
0x93: {  	s16 =	sadd.s32 s31, s16  }
0x94: {  	v8 =	vadd.s32 s16, v2;
	_ =	sdelay $0x1  }
0x95: {  	v6 =	vadd.f32 v7, v6;
	_ =	sdelay $0x1  }
0x96: {  	[tilespmem:s8+$0x0] =	vst v6  }
0x97: {  	s16 =	sshll.u32 s10, $0x4;
	v7 =	vld.idx.msk [tilespmem:v8+s24+$0x0], $0xffff  }
0x98: {  	p2 =	sne.s32 s1, $0x1;
	v8 =	vld.idx.msk [tilespmem:v5+s16+$0x0 ss:$0x1], $0xffff  }
.Ltmp10:
0x99: {  	_ = 	snop;
	(pc) =	sbr.rel @!p2 .LBB2_12-.Ltmp10, $4  }
0x9a: {  	_ = 	snop  }
0x9b: {  	s20 =	sadd.s32 $0x1900, s28  }
0x9c: {  	s1 =	sadd.s32 $0xFFFFFFFF, s1;
	s30 =	smov.u32 s8;
	v6 =	vadd.s32 s20, v2  }
0x9d: {  	s26 =	smov.u32 s17;
	p1 =	por $0x1, $0x1;
	s10 =	simm.s32 $0x1;
	v7 =	vadd.f32 v8, v7  }
.LBB2_13:
0x9e: {  	s10 =	sadd.s32 $0x2, s10  }
0x9f: {  	s30 =	sadd.s32 $0x20, s30;
	s26 =	sadd.s32 $0x20, s26;
	p2 =	sne.s32 s1, $0x1  }
0xa0: {  	s1 =	sadd.s32 $0xFFFFFFFF, s1;
	p3 =	slt.s32 s10, s6;
	[tilespmem:v4+s16+$0x0 ss:$0x1] =	vst.idx.msk $0xffff, v7;
	s16 =	smov.u32 s6  }
0xa1: {  	v6 =	vld.idx.msk [tilespmem:v6+s24+$0x0], $0xffff;
	s16 =	smov.u32 @p3 s10  }
0xa2: {  	v7 =	vld [tilespmem:s26+$0x0];
	s3 =	smul.u32 $0xC80, s16;
	_ =	sdelay $0x1  }
0xa3: {  	s3 =	sadd.s32 s31, s3  }
0xa4: {  	v8 =	vadd.s32 s3, v2;
	_ =	sdelay $0x1  }
0xa5: {  	v6 =	vadd.f32 v7, v6;
	_ =	sdelay $0x1  }
0xa6: {  	s16 =	sshll.u32 s16, $0x4;
	[tilespmem:s30+$0x0] =	vst v6  }
0xa7: {  	v7 =	vld.idx.msk [tilespmem:v8+s24+$0x0], $0xffff  }
0xa8: {  	v8 =	vld.idx.msk [tilespmem:v5+s16+$0x0 ss:$0x1], $0xffff;
	_ =	sdelay $0x1  }
.Ltmp11:
0xa9: {  	(pc) =	sbr.rel @p2 .LBB2_13-.Ltmp11, $3  }
0xaa: {  	s20 =	sadd.s32 $0x1900, s20  }
0xab: {  	v6 =	vadd.s32 s20, v2;
	_ =	sdelay $0x1  }
0xac: {  	v7 =	vadd.f32 v8, v7  }
.LBB2_14:
0xad: {  	_ =	sdelay $0x2  }
0xae: {  	s1 =	sadd.s32 @p1 $0x2, s10  }
0xaf: {  	s3 =	smov.u32 s17;
	s7 =	smov.u32 @p1 s1;
	s1 =	sadd.s32 @p1 $0x20, s26;
	[tilespmem:v4+s16+$0x0 ss:$0x1] =	vst.idx.msk @p1 $0xffff, v7  }
0xb0: {  	p2 =	slt.s32 s7, s6;
	v6 =	vld.idx.msk [tilespmem:v6+s24+$0x0], $0xffff;
	s3 =	smov.u32 @p1 s1  }
0xb1: {  	s6 =	smov.u32 @p2 s7;
	v7 =	vld [tilespmem:s3+$0x0]  }
0xb2: {  	s26 =	smul.u32 $0xC80, s6;
	_ =	sdelay $0x1  }
0xb3: {  	s1 =	sadd.s32 s31, s26  }
0xb4: {  	v8 =	vadd.s32 s1, v2  }
0xb5: {  	s3 =	smov.u32 s8;
	s1 =	sadd.s32 @p1 $0x20, s30;
	v6 =	vadd.f32 v7, v6  }
0xb6: {  	s3 =	smov.u32 @p1 s1  }
0xb7: {  	s30 =	sshll.u32 s6, $0x4;
	[tilespmem:s3+$0x0] =	vst v6  }
0xb8: {  	v5 =	vld.idx.msk [tilespmem:v5+s30+$0x0 ss:$0x1], $0xffff  }
0xb9: {  	v6 =	vld.idx.msk [tilespmem:v8+s24+$0x0], $0xffff;
	_ =	sdelay $0x4  }
0xba: {  	v5 =	vadd.f32 v5, v6;
	_ =	sdelay $0x1  }
0xbb: {  	[tilespmem:v4+s30+$0x0 ss:$0x1] =	vst.idx.msk $0xffff, v5  }
.LBB2_15:
0xbc: {  	s1 =	sshll.u32 s0, $0x4  }
0xbd: {  	v4 =	vld [tilespmem:s1+$0x0];
	_ =	sdelay $0x4  }
0xbe: {  	v4 =	vsub.s32 v3, v4  }
0xbf: {  	v5 =	vsub.s32 $0x0, v4  }
0xc0: {  	v4 =	vmin.u32 v4, v5  }
0xc1: {  	s3 =	ssub.s32 s4, s1;
	v4 =	vcvt.s32.f32 v4  }
0xc2: {  	p1 =	sgt.s32 s3, $0x0;
	s4 =	smov.u32 s3  }
0xc3: {  	s4 =	simm.s32 @!p1 $0x0;
	v4 =	vmax.f32 v4, $1.000000000e+00  }
0xc4: {  	s4 =	smul.u32 $0xC8, s4;
	v5 =	vshrl.u32 v4, $0x10  }
0xc5: {  	v5 =	vand.u32 $0x7FFF, v5  }
0xc6: {  	s6 =	smul.u32 $0xC80, s0;
	v6 =	vmov s4;
	v5 =	vadd.s32 $0xFFFFC080, v5  }
0xc7: {  	vm0 =	vlt.s32 v6, v2  }
0xc8: {  	s26 =	sadd.s32 s15, s1;
	s20 =	sadd.s32 s31, s6;
	v6 =	vsel vm0, s4, v2  }
0xc9: {  	v9 =	vld [tilespmem:s26+$0x200];
	v6 =	vadd.s32 s20, v6  }
0xca: {  	v10 =	vld [tilespmem:s26+$0x4400]  }
0xcb: {  	v7 =	vld.idx.msk [tilespmem:v5+s14+$0x0], $0xffff  }
0xcc: {  	v8 =	vld.idx.msk [tilespmem:v5+s18+$0x0], $0xffff  }
0xcd: {  	v5 =	vld.idx.msk [tilespmem:v5+s19+$0x0], $0xffff  }
0xce: {  	v6 =	vld.idx.msk [tilespmem:v6+s24+$0x0], $0xffff  }
0xcf: {  	s30 =	ssub.s32 $0xD, s0  }
0xd0: {  	s4 =	sshrl.u32 s30, $0x1  }
0xd1: {  	s3 =	simm.s32 @p0 $0x0;
	p0 =	seq.s32 s4, $0x0;
	vm14 =	vge.f32 v4, v7  }
.Ltmp12:
0xd2: {  	v4 =	vsel vm14, v5, v8;
	(pc) =	sbr.rel @p0 .LBB2_7-.Ltmp12, $4  }
0xd3: {  	v63 =	vmov s3;
	v5 =	vadd.f32 v10, v6;
	v4 =	vadd.f32 v4, v9  }
0xd4: {  	vm15 =	vgt.s32 v63, v0  }
0xd5: {  	s1 =	sadd.s32 s1, s5;
	v4 =	vsel vm15, v5, v4  }
0xd6: {  	[tilespmem:s1+$0x0] =	vst v4  }
0xd7: {  	s1 =	sshll.u32 s0, $0x6  }
0xd8: {  	s3 =	sadd.s32 $0x200, s15;
	s0 =	sadd.s32 $0x2, s0;
	s1 =	sshra.s32 s1, $0x2  }
0xd9: {  	v5 =	vmov s5;
	v4 =	vmov s3;
	s6 =	sadd.s32 s1, s25;
	s7 =	sadd.s32 s1, s29;
	s1 =	sadd.s32 $0x10, s1  }
.LBB2_17:
0xda: {  	v6 =	vld [tilespmem:s1+$0x0];
	_ =	sdelay $0x4  }
0xdb: {  	v6 =	vsub.s32 v3, v6  }
0xdc: {  	v7 =	vsub.s32 $0x0, v6  }
0xdd: {  	v6 =	vmin.u32 v6, v7  }
0xde: {  	v6 =	vcvt.s32.f32 v6;
	_ =	sdelay $0x1  }
0xdf: {  	v6 =	vmax.f32 v6, $1.000000000e+00  }
0xe0: {  	v7 =	vshrl.u32 v6, $0x10  }
0xe1: {  	v7 =	vand.u32 $0x7FFF, v7  }
0xe2: {  	v7 =	vadd.s32 $0xFFFFC080, v7;
	_ =	sdelay $0x4  }
0xe3: {  	v8 =	vld.idx.msk [tilespmem:v7+s14+$0x0], $0xffff  }
0xe4: {  	v9 =	vld.idx.msk [tilespmem:v7+s18+$0x0], $0xffff  }
0xe5: {  	v7 =	vld.idx.msk [tilespmem:v7+s19+$0x0], $0xffff  }
0xe6: {  	v10 =	vld [tilespmem:s7+$0x0];
	_ =	sdelay $0x2  }
0xe7: {  	vm0 =	vge.f32 v6, v8  }
0xe8: {  	v6 =	vsel vm0, v7, v9  }
0xe9: {  	p0 =	slt.s32 s0, $0xC;
	s3 =	smov.u32 s0;
	v6 =	vadd.f32 v6, v10  }
0xea: {  	s3 =	simm.s32 @!p0 $0xC  }
0xeb: {  	s3 =	sshll.u32 s3, $0x4;
	[tilespmem:s6+$0x0] =	vst v6  }
0xec: {  	v6 =	vld [tilespmem:s3+$0x0];
	_ =	sdelay $0x4  }
0xed: {  	v6 =	vsub.s32 v3, v6  }
0xee: {  	v7 =	vsub.s32 $0x0, v6  }
0xef: {  	v6 =	vmin.u32 v6, v7  }
0xf0: {  	v6 =	vcvt.s32.f32 v6;
	_ =	sdelay $0x1  }
0xf1: {  	v6 =	vmax.f32 v6, $1.000000000e+00  }
0xf2: {  	v7 =	vshrl.u32 v6, $0x10  }
0xf3: {  	v7 =	vand.u32 $0x7FFF, v7  }
0xf4: {  	v7 =	vadd.s32 $0xFFFFC080, v7;
	_ =	sdelay $0x4  }
0xf5: {  	v61 =	vld.idx.msk [tilespmem:v7+s14+$0x0], $0xffff  }
0xf6: {  	v62 =	vld.idx.msk [tilespmem:v7+s18+$0x0], $0xffff  }
0xf7: {  	v7 =	vld.idx.msk [tilespmem:v7+s19+$0x0], $0xffff  }
0xf8: {  	v63 =	vld.idx.msk [tilespmem:v4+s3+$0x0 ss:$0x1], $0xffff;
	_ =	sdelay $0x1  }
0xf9: {  	p0 =	seq.s32 s4, $0x1  }
.Ltmp13:
0xfa: {  	vm15 =	vge.f32 v6, v61;
	(pc) =	sbr.rel @!p0 .LBB2_17-.Ltmp13, $4  }
0xfb: {  	v6 =	vsel vm15, v7, v62  }
0xfc: {  	v6 =	vadd.f32 v6, v63  }
0xfd: {  	s7 =	sadd.s32 $0x20, s7;
	s1 =	sadd.s32 $0x20, s1  }
0xfe: {  	s0 =	sadd.s32 $0x2, s0;
	s4 =	sadd.s32 $0xFFFFFFFF, s4;
	s6 =	sadd.s32 $0x20, s6;
	[tilespmem:v5+s3+$0x0 ss:$0x1] =	vst.idx.msk $0xffff, v6  }
.Ltmp14:
0xff: {  	_ = 	snop;
	(pc) =	sbr.rel .LBB2_7-.Ltmp14, $1  }
0x100: {  	_ =	sdelay $0x3  }
.LBB2_10:
.Ltmp15:
0x101: {  	(pc) =	sbr.rel .LBB2_14-.Ltmp15, $2  }
0x102: {  	_ =	sdelay $0x2  }
0x103: {  	s10 =	simm.s32 $0x1;
	s30 =	smov.u32 s8;
	s26 =	smov.u32 s17  }
.LBB2_12:
.Ltmp16:
0x104: {  	(pc) =	sbr.rel .LBB2_14-.Ltmp16, $2  }
0x105: {  	_ =	sdelay $0x2  }
0x106: {  	s10 =	simm.s32 $0x1;
	s30 =	smov.u32 s8;
	s26 =	smov.u32 s17  }
.LBB2_20:
0x107: {  	_ =	sfence.sel $0x180000  }
0x108: {  	[bflag:$0x0] =	sbarrier.arrive $0xFFFF  }
0x109: {  	_ =	strace $0x90000047  }
0x10a: {  	s0 =	stileid.u32;
	[bflag:$0x2] =	sbarrier.arrive $0xFFFF  }
0x10b: {  	p0 =	sne.s32 s0, $0x0;
	s0 =	rddreg [dreg:$0x2]  }
0x10c: {  	s0 =	sadd.s32 @!p0 $0x100000, s0  }
0x10d: {  	[sflag:s0] =	ssyncadd.tile.s32 @!p0 $0x1;
	_ =	shalt  }
.Lfunc_end2:
_tile_overlayer_lowered:
.L_overlay_start_2:
0x10e: {  	(tag) =	ssettag $0x2  }
0x10f: {  	s0 =	rddreg [dreg:$0x0];
	s2 =	stileid.u32  }
0x110: {  	s1 =	rddreg [dreg:$0x1];
	p0 =	sne.s32 s2, $0x0  }
0x111: {  	s3 =	rddreg [dreg:$0x2];
	[bflag:$0x3] =	sbarrier.arrive $0xFFFF;
	s2 =	simm.s32 @!p0 $0x1C02  }
0x112: {  	[timem:s3], [sflag:s2] =	dma.local @!p0 [hbm:s0], s1  }
0x113: {  	s0 =	simm.s32 @!p0 $0x2  }
0x114: {  	_ =	swait.ge @!p0 [sflag:s0], s1  }
0x115: {  	s1 =	ssub.s32 @!p0 $0x0, s1;
	[sflag:s0] =	ssyncset.done @!p0 $0x0  }
0x116: {  	[sflag:s0] =	ssyncadd.s32 @!p0 s1  }
0x117: {  	[bflag:$0x3] =	sbarrier.arrive $0xFFFF  }
0x118: {  	_ =	shalt  }

// kernel: sparse-core-data-format-call.cloned.1.call-start
scs
called_computation_lowered:
.L_overlay_start_0:
0x0: {  	s2 =	sld [smem:$0x3FD9]  }
0x1: {  	s3 =	sld [smem:$0x3FFE];
	_ =	sdelay $0x1  }
0x2: {  	s1 =	srdreg.scid  }
0x3: {  	s0 =	sand.u32 $0x1, s1  }
0x4: {  	s18 =	sshll.u32 s0, $0xA;
	s2 =	sadd.s32 s3, s2  }
0x5: {  	s2 =	sadd.s32 s2, s18  }
0x6: {  	[smem:$0x3FC5] =	sst s2  }
0x7: {  	_ = 	snop  }
0x8: {  	s2 =	sld [smem:$0x3FD0];
	(tm) =	ssettm $0x1  }
0x9: {  	s19 =	sld [smem:$0x3FFB];
	_ =	sdelay $0x3  }
0xa: {  	_ =	strace s19  }
0xb: {  	s3 =	sld [smem:$0x3FFC];
	_ =	sdelay $0x3  }
0xc: {  	_ =	strace s3  }
0xd: {  	s3 =	sld [smem:$0x3FFD];
	_ =	sdelay $0x3  }
0xe: {  	_ =	strace s3  }
0xf: {  	_ =	strace $0x8FFFFFFF  }
0x10: {  	s20 =	sld [smem:$0x3FDB];
	_ =	sdelay $0x1  }
0x11: {  	s4 =	simm.s32 $_scs_section_size  }
0x12: {  	s5 =	simm.s32 $_size__tile_overlayer_lowered;
	s6 =	simm.s32 $_tile_overlayer_lowered  }
0x13: {  	s23 =	simm.s32 $0x1BFF;
	s22 =	sshll.u32 s6, $0x1;
	s3 =	sadd.s32 s4, s20  }
0x14: {  	s7 =	simm.s32 $0x0;
	s21 =	sshll.u32 s5, $0x1;
	s5 =	sadd.s32 s22, s3  }
0x15: {  	[timem:s7], [sflag:s23] =	dma.local [hbm:s5], s21  }
0x16: {  	_ =	swait.ge [sflag:s23], s21  }
0x17: {  	s4 =	ssub.s32 $0x0, s21;
	[sflag:s23] =	ssyncset.done $0x0  }
0x18: {  	[sflag:s23] =	ssyncadd.s32 s4;
	_ =	sdelay $0x1  }
0x19: {  	s24 =	simm.s32 $0x1B8B  }
0x1a: {  	_ =	swait.ge [sflag:s24], $0x1  }
0x1b: {  	[sflag:s24] =	ssyncset.done $0x0  }
0x1c: {  	s26 =	simm.s32 $0x1B8E;
	s25 =	sld [smem:$0x3FFE];
	[sflag:s24] =	ssyncadd.s32 $0xFFFFFFFF  }
0x1d: {  	s27 =	simm.s32 $execute0_lowered;
	[smem:$0x3FD2] =	sst s26  }
0x1e: {  	s5 =	sshll.u32 s27, $0x1;
	_ =	strace $0x80000049;
	[dreg:$0x1] =	wrdreg $0xFFFFFFFF  }
0x1f: {  	s28 =	simm.s32 $_size_execute0_lowered;
	s3 =	sadd.s32 s3, s5;
	[dreg:$0x0] =	wrdreg $0x0  }
0x20: {  	s5 =	sshll.u32 s28, $0x1;
	[dreg:$0x2] =	wrdreg s3  }
0x21: {  	[dreg:$0x3] =	wrdreg s5  }
0x22: {  	[dreg:$0x4] =	wrdreg $0xC0  }
0x23: {  	_ =	task [dreg:s7], $0x5FFFF  }
0x24: {  	[dreg:$0x1] =	wrdreg $0xFFFFFFFF  }
0x25: {  	[dreg:$0x0] =	wrdreg $0x60  }
0x26: {  	[dreg:$0x2] =	wrdreg s25  }
0x27: {  	[dreg:$0x3] =	wrdreg s2  }
0x28: {  	[dreg:$0x4] =	wrdreg $0x9  }
0x29: {  	_ =	task.clear_ibuf [dreg:s7], $0x5FFFF;
	_ =	strace $0x90000049  }
0x2a: {  	s29 =	simm.s32 $0x9;
	_ =	strace $0x8000004B  }
0x2b: {  	_ =	swait.ge [sflag:s29], $0x1  }
0x2c: {  	[sflag:s29] =	ssyncadd.s32 $0xFFFFFFFF  }
0x2d: {  	_ =	strace $0x9000004B  }
0x2e: {  	_ =	sfence  }
0x2f: {  	s30 =	sld [smem:$0x0];
	_ =	sdelay $0x2  }
0x30: {  	s31 =	sshll.u32 s1, $0xD;
	s1 =	sshrl.u32 s1, $0x2  }
0x31: {  	s3 =	sand.u32 $0x4000, s31;
	s1 =	sadd.s32 s1, s30  }
0x32: {  	s0 =	sor.u32 s3, s0;
	s1 =	sshll.u32 s1, $0x11  }
0x33: {  	s0 =	sor.u32 s1, s0  }
0x34: {  	s0 =	sadd.s32 $0x8F2B, s0  }
0x35: {  	[sflag:s0] =	ssyncadd.remote.s32 $0x1  }
0x36: {  	_ =	sfence.sel $0xFFFF  }
0x37: {  	[dreg:$0x0] =	wrdreg $0xFFFFFFFF;
	(pc) =	sbr.abs _section_cstart, $3  }
0x38: {  	[dreg:$0x1] =	wrdreg $0xFFFFFFFF  }
0x39: {  	_ =	task.clear_ibuf [dreg:s7], $0x2FFFF;
	_ =	strace $0x9FFFFFFF  }
0x3a: {  	(tm) =	ssettm $0x7FFFFFFF  }
0x3b: {  	_ =	shalt  }
tec
execute0_lowered:
.L_overlay_start_1:
0x0: {  	(tag) =	ssettag $0x1  }
0x1: {  	s4 =	rddreg [dreg:$0x0]  }
0x2: {  	s0 =	stileid.u32;
	s2 =	rddreg [dreg:$0x1]  }
0x3: {  	s1 =	rddreg [dreg:$0x2];
	_ =	strace $0x8000004A;
	s10 =	srdreg.scid  }
0x4: {  	s31 =	simm.s32 $0x2;
	s18 =	simm.s32 $0x0;
	s11 =	simm.s32 $0x2000  }
0x5: {  	s19 =	simm.s32 $0x0;
	s20 =	simm.s32 $0x0;
	s12 =	simm.s32 $0x0  }
0x6: {  	s13 =	simm.s32 $0x0;
	s14 =	simm.s32 $0x0;
	s3 =	sshll.u32 s0, $0x7  }
0x7: {  	s17 =	simm.s32 $0x0;
	s4 =	sadd.s32 $0x800, s4;
	s3 =	sand.u32 $0x380, s3  }
0x8: {  	s5 =	sshrl.u32 s0, $0x3;
	s30 =	sshll.u32 s10, $0x7;
	s6 =	ssub.s32 $0x400, s3  }
0x9: {  	s8 =	ssub.s32 $0xC8, s5;
	s7 =	sshrl.u32 s6, $0xA;
	s6 =	sand.u32 $0x380, s6  }
0xa: {  	s9 =	sshrl.u32 s8, $0x1;
	p0 =	sne.s32 s6, $0x0;
	s6 =	simm.s32 $0x1  }
.Ltmp0:
0xb: {  	s8 =	sand.u32 $0x1, s8;
	s6 =	simm.s32 @!p0 $0x0;
	(pc) =	sbr.rel .LBB1_1-.Ltmp0, $4  }
0xc: {  	s15 =	smov.u32 s5;
	s8 =	sadd.s32 s8, s9;
	s7 =	sadd.s32 s6, s7  }
0xd: {  	s16 =	smov.u32 s3;
	s6 =	simm.s32 $0x1;
	s7 =	smul.u32 s8, s7  }
0xe: {  	p0 =	por $0x0, $0x0;
	s8 =	sand.u32 $0x80, s30;
	[sflag:s6] =	ssyncpa.u1 $0x0  }
0xf: {  	[sflag:s31] =	ssyncpa.u1 $0x0;
	s9 =	sshll.u32 s8, $0x3;
	s10 =	sadd.s32 $0x1, s7  }
.LBB1_4:
0x10: {  	s25 =	sshra.s32 s25, $0x2;
	s26 =	sshrl.u32 s14, $0x7;
	p1 =	sgt.s32 s14, $0x380  }
0x11: {  	s27 =	sshra.s32 s14, $0x1F;
	s29 =	smov.u32 s13;
	s31 =	sshra.s32 s13, $0x1F  }
0x12: {  	s24 =	sadd.s32 s25, s24;
	s30 =	sadd.s32 s26, s12;
	s26 =	smov.u32 s14  }
0x13: {  	v5 =	vld [tilespmem:s22+$0xFFFFFFD0];
	[tilespmem:s23+$0x2040 ss:$0x81] =	vst.msk $0xffff, v4;
	s27 =	sand.u32 s27, s14;
	s25 =	sand.u32 $0x3FFFFF, s30;
	s26 =	simm.s32 @!p1 $0x380  }
0x14: {  	v58 =	vld [tilespmem:s22+$0xFFFFFFE0];
	[tilespmem:s23+$0x2850 ss:$0x81] =	vst.msk $0xffff, v3;
	p1 =	sgt.s32 s13, $0xC7;
	s28 =	smulhi.u32 $0x147AE15, s25;
	s26 =	ssub.s32 s26, s27  }
0x15: {  	v59 =	vld [tilespmem:s22+$0xFFFFFFF0];
	[tilespmem:s23+$0x3060 ss:$0x81] =	vst.msk $0xffff, v2;
	s29 =	simm.s32 @!p1 $0xC7;
	s27 =	sand.u32 s31, s13;
	p1 =	sgt.s32 s12, $0x48  }
0x16: {  	v60 =	vld [tilespmem:s22+$0x0];
	[tilespmem:s23+$0x0 ss:$0x81] =	vst.msk $0xffff, v1;
	s23 =	ssub.s32 s29, s27;
	s27 =	smov.u32 s12;
	s30 =	sadd.s32 $0xFFFFFC80, s26  }
0x17: {  	v61 =	vld [tilespmem:s22+$0x10];
	[tilespmem:s24+$0x3870 ss:$0x81] =	vst.msk $0xffff, v0;
	s26 =	ssub.s32 $0x400, s26;
	s27 =	simm.s32 @!p1 $0x48;
	p1 =	sgt.s32 s30, $0x7F  }
0x18: {  	v62 =	vld [tilespmem:s22+$0x20];
	s28 =	smul.u32 $0xC8, s28;
	[tilespmem:s24+$0x810 ss:$0x81] =	vst.msk $0xffff, v5;
	s27 =	ssub.s32 $0xC8, s27;
	s26 =	simm.s32 @p1 $0x0  }
0x19: {  	v63 =	vld [tilespmem:s22+$0xFFFFFFC0];
	s29 =	sand.u32 $0x7, s14;
	s31 =	sadd.s32 $0xFFFFFF39, s23;
	[tilespmem:s24+$0x1020 ss:$0x81] =	vst.msk $0xffff, v58;
	s26 =	smul.u32 s27, s26  }
0x1a: {  	s22 =	ssub.s32 $0xC8, s23;
	[tilespmem:s24+$0x1830 ss:$0x81] =	vst.msk $0xffff, v59;
	p1 =	sgt.s32 s31, $0x0;
	s27 =	smul.u32 $0x6400, s13  }
0x1b: {  	[tilespmem:s24+$0x2040 ss:$0x81] =	vst.msk $0xffff, v60;
	s22 =	simm.s32 @p1 $0x0;
	s25 =	ssub.s32 s25, s28;
	s28 =	sshrl.u32 s14, $0x3  }
0x1c: {  	[tilespmem:s24+$0x2850 ss:$0x81] =	vst.msk $0xffff, v61;
	s23 =	sand.u32 $0xF, s28;
	s22 =	smul.u32 s22, s26;
	s26 =	sadd.s32 s2, s27  }
0x1d: {  	[tilespmem:s24+$0x3060 ss:$0x81] =	vst.msk $0xffff, v62;
	s30 =	sshll.u32 s29, $0x12;
	s25 =	sshll.u32 s25, $0x7;
	s23 =	sadd.s32 s23, s26  }
0x1e: {  	[tilespmem:s24+$0x0 ss:$0x81] =	vst.msk $0xffff, v63;
	s31 =	sor.u32 $0x400, s30;
	s22 =	sand.u32 $0x3FFFFFFF, s22;
	s23 =	sadd.s32 s25, s23  }
0x1f: {  	[hbm4b:s23+s31] =	stream.strided.scatter [tilespmem:s21], [sflag:$0x2], s22, s11, s31, $0x20;
	[tilespmem:$0x10100] =	vst v63  }
.LBB1_5:
0x20: {  	p1 =	slt.u32 s17, $0x2;
	s21 =	smov.u32 s19  }
0x21: {  	s22 =	smov.u32 s20;
	p2 =	sgt.s32 @!p1 s19, $0xC7;
	p3 =	sgt.s32 @!p1 s20, $0x380  }
0x22: {  	s23 =	sshra.s32 @!p1 s20, $0x1F;
	p2 =	por !p2, p1;
	p3 =	por !p3, p1  }
0x23: {  	s20 =	sand.u32 @!p1 s23, s20;
	s21 =	simm.s32 @p2 $0xC7;
	s22 =	simm.s32 @p3 $0x380  }
0x24: {  	p2 =	sgt.s32 @!p1 s18, $0x48;
	s20 =	ssub.s32 @!p1 s22, s20;
	s22 =	sshra.s32 @!p1 s19, $0x1F  }
0x25: {  	p2 =	por !p2, p1;
	s19 =	sand.u32 @!p1 s22, s19;
	s22 =	sadd.s32 @!p1 $0xFFFFFC80, s20  }
0x26: {  	s18 =	simm.s32 @p2 $0x48;
	s19 =	ssub.s32 @!p1 s21, s19;
	p2 =	sgt.s32 @!p1 s22, $0x7F  }
0x27: {  	s20 =	ssub.s32 @!p1 $0x400, s20;
	s21 =	sadd.s32 @!p1 $0xFFFFFF39, s19;
	p2 =	por !p2, p1  }
0x28: {  	s18 =	ssub.s32 @!p1 $0xC8, s18;
	s20 =	simm.s32 @!p2 $0x0;
	p2 =	sgt.s32 @!p1 s21, $0x0  }
0x29: {  	s19 =	ssub.s32 @!p1 $0xC8, s19;
	p2 =	por !p2, p1;
	s18 =	smul.u32 @!p1 s18, s20  }
0x2a: {  	s23 =	smov.u32 s16;
	s21 =	sadd.s32 $0x2, s15;
	s19 =	simm.s32 @!p2 $0x0  }
0x2b: {  	p2 =	sgt.s32 s21, $0xC7;
	s18 =	smul.u32 @!p1 s19, s18;
	s19 =	sadd.s32 $0x400, s16  }
0x2c: {  	s25 =	sadd.s32 $0x1, s17;
	s23 =	smov.u32 @p2 s19  }
0x2d: {  	p0 =	por !p0, !p0;
	s21 =	smov.u32 @p2 s5;
	p2 =	sgt.s32 s23, $0x3FF  }
0x2e: {  	s22 =	simm.s32 @!p1 $0x2;
	s23 =	smov.u32 @p2 s3;
	p2 =	sne.s32 s17, s10  }
.Ltmp1:
0x2f: {  	s20 =	smov.u32 s14;
	s14 =	smov.u32 s16;
	(pc) =	sbr.rel @!p2 .LBB1_6-.Ltmp1, $4  }
0x30: {  	s19 =	smov.u32 s13;
	s13 =	smov.u32 s15;
	s18 =	sand.u32 @!p1 $0x3FFFFFFF, s18  }
0x31: {  	s15 =	smov.u32 s21;
	_ =	swait.ge @!p1 [sflag:s22], s18;
	s24 =	ssub.s32 @!p1 $0x0, s18  }
0x32: {  	s18 =	smov.u32 s12;
	s12 =	smov.u32 s8;
	[sflag:s22] =	ssyncset.done @!p1 $0x0  }
0x33: {  	s17 =	smov.u32 s25;
	s16 =	smov.u32 s23;
	[sflag:s22] =	ssyncadd.s32 @!p1 s24  }
.LBB1_1:
0x34: {  	p1 =	sge.u32 s17, s7  }
0x35: {  	s21 =	sshll.u32 @!p1 s15, $0x8  }
0x36: {  	s22 =	sshll.u32 @!p1 s15, $0x7;
	s21 =	sand.u32 @!p1 $0xFFFFF800, s21  }
0x37: {  	s22 =	sand.u32 @!p1 $0x300, s22;
	s21 =	sor.u32 @!p1 s9, s21  }
0x38: {  	s21 =	sor.u32 @!p1 s22, s21  }
0x39: {  	s21 =	sshrl.u32 @!p1 s21, $0x8  }
0x3a: {  	s22 =	smulhi.u32 @!p1 $0x147AE15, s21;
	_ =	sdelay $0x1  }
0x3b: {  	s22 =	smul.u32 @!p1 $0xC8, s22  }
0x3c: {  	s31 =	sadd.s32 $0xFFFFFFFF, s17;
	s23 =	smul.u32 @!p1 $0x1900, s16  }
0x3d: {  	s24 =	sxor.u32 @!p1 $0xFFFFFFFF, s17;
	s21 =	ssub.s32 @!p1 s21, s22;
	s22 =	sshll.u32 @!p1 s15, $0x4  }
0x3e: {  	s24 =	sshll.u32 @!p1 s24, $0xE;
	s23 =	sadd.s32 @!p1 s4, s23;
	s22 =	sand.u32 @!p1 $0x10, s22  }
0x3f: {  	s24 =	sand.u32 @!p1 $0x4000, s24;
	s21 =	sshll.u32 @!p1 s21, $0x5;
	s22 =	sadd.s32 @!p1 s22, s23  }
0x40: {  	s23 =	simm.s32 @!p1 $0xC800;
	s21 =	sadd.s32 @!p1 s21, s22;
	s22 =	simm.s32 @!p1 $0x80  }
0x41: {  	[tilespmem:s24], [sflag:$0x1] =	stream.strided.gather @!p1 [hbm4b:s21+s22], $0x4000, s23, s22, $0x38;
	[tilespmem:$0x10100] =	vst v63  }
0x42: {  	p1 =	sge.u32 s31, s7  }
.Ltmp2:
0x43: {  	_ = 	snop;
	(pc) =	sbr.rel @p1 .LBB1_5-.Ltmp2, $1  }
0x44: {  	_ =	sdelay $0x3  }
0x45: {  	s21 =	simm.s32 $0x1  }
0x46: {  	_ =	swait.ge [sflag:s6], $0x4000;
	s21 =	simm.s32 @!p0 $0x0  }
0x47: {  	[sflag:s6] =	ssyncset.done $0x0;
	s22 =	sshll.u32 s21, $0xE  }
0x48: {  	[sflag:s6] =	ssyncadd.s32 $0xFFFFC000;
	s22 =	sor.u32 $0x40, s22  }
0x49: {  	s21 =	smul.u32 $0x10200, s21;
	v0 =	vld [tilespmem:s22+$0x30]  }
0x4a: {  	v1 =	vld [tilespmem:s22+$0xFFFFFFD0]  }
0x4b: {  	s21 =	sshrl.u32 s21, $0x2;
	v5 =	vld [tilespmem:s22+$0xFFFFFFE0]  }
0x4c: {  	v6 =	vld [tilespmem:s22+$0xFFFFFFF0];
	s24 =	sor.u32 $0x8000, s21  }
0x4d: {  	s31 =	sand.u32 $0x1, s17;
	v4 =	vld [tilespmem:s22+$0x0];
	s23 =	sadd.s32 $0x0, s24  }
0x4e: {  	v3 =	vld [tilespmem:s22+$0x10];
	s21 =	smul.u32 $0x10200, s31;
	[tilespmem:s23+$0x3870 ss:$0x81] =	vst.msk $0xffff, v0  }
0x4f: {  	v2 =	vld [tilespmem:s22+$0x20];
	[tilespmem:s23+$0x810 ss:$0x81] =	vst.msk $0xffff, v1  }
0x50: {  	s21 =	sshrl.u32 s21, $0x2;
	v1 =	vld [tilespmem:s22+$0xFFFFFFC0];
	[tilespmem:s23+$0x1020 ss:$0x81] =	vst.msk $0xffff, v5;
	s22 =	sadd.s32 $0x80, s22  }
0x51: {  	s25 =	simm.s32 $0x4;
	s26 =	simm.s32 $0x8;
	s21 =	sor.u32 $0x8000, s21;
	[tilespmem:s23+$0x1830 ss:$0x81] =	vst.msk $0xffff, v6;
	v0 =	vld [tilespmem:s22+$0x30]  }
.LBB1_3:
0x52: {  	p1 =	sne.s32 s26, $0x1FC;
	v5 =	vld [tilespmem:s22+$0xFFFFFFD0];
	[tilespmem:s23+$0x2040 ss:$0x81] =	vst.msk $0xffff, v4  }
0x53: {  	v6 =	vld [tilespmem:s22+$0xFFFFFFE0];
	[tilespmem:s23+$0x2850 ss:$0x81] =	vst.msk $0xffff, v3  }
0x54: {  	s27 =	sshra.s32 s25, $0x2;
	s25 =	smov.u32 s26;
	v7 =	vld [tilespmem:s22+$0xFFFFFFF0];
	[tilespmem:s23+$0x3060 ss:$0x81] =	vst.msk $0xffff, v2  }
.Ltmp3:
0x55: {  	v4 =	vld [tilespmem:s22+$0x0];
	[tilespmem:s23+$0x0 ss:$0x81] =	vst.msk $0xffff, v1;
	s23 =	sadd.s32 s27, s24;
	(pc) =	sbr.rel @p1 .LBB1_3-.Ltmp3, $4  }
0x56: {  	v3 =	vld [tilespmem:s22+$0x10];
	[tilespmem:s23+$0x3870 ss:$0x81] =	vst.msk $0xffff, v0  }
0x57: {  	[tilespmem:s23+$0x810 ss:$0x81] =	vst.msk $0xffff, v5;
	v2 =	vld [tilespmem:s22+$0x20]  }
0x58: {  	v1 =	vld [tilespmem:s22+$0xFFFFFFC0];
	[tilespmem:s23+$0x1020 ss:$0x81] =	vst.msk $0xffff, v6;
	s22 =	sadd.s32 $0x80, s22  }
0x59: {  	s26 =	sadd.s32 $0x4, s26;
	v0 =	vld [tilespmem:s22+$0x30];
	[tilespmem:s23+$0x1830 ss:$0x81] =	vst.msk $0xffff, v7  }
.Ltmp4:
0x5a: {  	_ = 	snop;
	(pc) =	sbr.rel .LBB1_4-.Ltmp4, $1  }
0x5b: {  	_ =	sdelay $0x3  }
.LBB1_6:
0x5c: {  	_ =	sfence.sel $0x180000  }
0x5d: {  	s2 =	simm.s32 $0x1;
	[bflag:$0x0] =	sbarrier.arrive $0xFFFF  }
0x5e: {  	s31 =	simm.s32 $0x2;
	[sflag:s2] =	ssyncpa.u1 $0x1  }
0x5f: {  	[sflag:s31] =	ssyncpa.u1 $0x1  }
0x60: {  	p0 =	sne.s32 s0, $0x0;
	_ =	strace $0x9000004A  }
0x61: {  	s0 =	sadd.s32 @!p0 $0x100000, s1;
	[bflag:$0x2] =	sbarrier.arrive $0xFFFF  }
0x62: {  	[sflag:s0] =	ssyncadd.tile.s32 @!p0 $0x1;
	_ =	shalt  }
.Lfunc_end1:
_tile_overlayer_lowered:
.L_overlay_start_2:
0x63: {  	(tag) =	ssettag $0x2  }
0x64: {  	s0 =	rddreg [dreg:$0x0];
	s2 =	stileid.u32  }
0x65: {  	s1 =	rddreg [dreg:$0x1];
	p0 =	sne.s32 s2, $0x0  }
0x66: {  	s3 =	rddreg [dreg:$0x2];
	[bflag:$0x3] =	sbarrier.arrive $0xFFFF;
	s2 =	simm.s32 @!p0 $0x1C01  }
0x67: {  	[timem:s3], [sflag:s2] =	dma.local @!p0 [hbm:s0], s1  }
0x68: {  	s0 =	simm.s32 @!p0 $0x1  }
0x69: {  	_ =	swait.ge @!p0 [sflag:s0], s1  }
0x6a: {  	s1 =	ssub.s32 @!p0 $0x0, s1;
	[sflag:s0] =	ssyncset.done @!p0 $0x0  }
0x6b: {  	[sflag:s0] =	ssyncadd.s32 @!p0 s1  }
0x6c: {  	[bflag:$0x3] =	sbarrier.arrive $0xFFFF  }
0x6d: {  	_ =	shalt  }

</sc_bundles>
